<compile_context>
chip_gen: v7x
topology: tpu7x:2x2x1
jax: 0.10.2.dev20260603
libtpu: 0.0.44.dev20260713+nightly
codegen_flags: <defaults>
</compile_context>

<pallas_src>
import functools

import jax
import jax.numpy as jnp
from jax import lax
from jax.experimental import pallas as pl
from jax.experimental.pallas import tpu as pltpu
from jax.experimental.pallas import tpu_sc as plsc

N_ROWS = 1024 * 50
C = 1000
NC, NS = 2, 16
NW = NC * NS
RPW = N_ROWS // NW
L = 16
ZW = 100_000
NZDMA = RPW * C // ZW
SCW = 64
NSC = RPW // SCW


def _one_hot_sc(x_flat):
    mesh = plsc.VectorSubcoreMesh(core_axis_name="c", subcore_axis_name="s")

    @functools.partial(
        pl.kernel,
        out_type=jax.ShapeDtypeStruct((N_ROWS * C,), jnp.float32),
        mesh=mesh,
        scratch_types=[
            pltpu.VMEM((RPW,), jnp.int32),
            pltpu.VMEM((ZW,), jnp.float32),
            pltpu.VMEM((NSC, SCW), jnp.int32),
            pltpu.VMEM((SCW,), jnp.float32),
            pltpu.SemaphoreType.DMA,
            pltpu.SemaphoreType.DMA,
        ],
    )
    def body(x_hbm, out_hbm, xv, zbuf, pos, ones, zsem, ssem):
        wid = lax.axis_index("s") * NC + lax.axis_index("c")
        base = pl.multiple_of(wid * RPW, RPW)

        zeros_f = jnp.zeros((L,), jnp.float32)

        def zero_body(i, _):
            zbuf[pl.ds(pl.multiple_of(i * L, L), L)] = zeros_f
            return _
        lax.fori_loop(0, ZW // L, zero_body, None, unroll=8)

        for t in range(NZDMA):
            pltpu.async_copy(
                zbuf, out_hbm.at[pl.ds(base * C + t * ZW, ZW)], zsem)

        pltpu.sync_copy(x_hbm.at[pl.ds(base, RPW)], xv)
        lanes = lax.iota(jnp.int32, L)
        for c in range(SCW // L):
            ones[pl.ds(c * L, L)] = jnp.ones((L,), jnp.float32)

        def pos_body(j, _):
            row0 = base + j * SCW
            for c in range(SCW // L):
                idx16 = xv[pl.ds(j * SCW + c * L, L)]
                pos[j, pl.ds(c * L, L)] = (row0 + c * L + lanes) * C + idx16
            return _
        lax.fori_loop(0, NSC, pos_body, None)

        for t in range(NZDMA):
            pltpu.make_async_copy(
                zbuf, out_hbm.at[pl.ds(0, ZW)], zsem).wait()
        for j in range(NSC):
            pltpu.async_copy(ones, out_hbm.at[pos.at[j]], ssem)
        for j in range(NSC):
            pltpu.make_async_copy(
                ones, out_hbm.at[pos.at[0]], ssem).wait()

    return body(x_flat)


@jax.jit
def kernel(x):
    out = _one_hot_sc(x.reshape(-1))
    return out.reshape(x.shape[0], x.shape[1], C)

# --- scband reference (transcript-rebuilt; emitter-appended) ---
"""Pipeline reference for scband-one-hot-39788577030634 (READ-ONLY COPY).

The authoritative reference and input builder live on the scoring server;
editing this copy changes nothing except your own understanding.
"""

import jax, jax.numpy as jnp
import numpy as np

NUM_TOKENS = 1000

def setup_inputs(seed: int = 0) -> dict:
    key = jax.random.key(seed)
    x = jax.random.randint(key, (1024, 50), 0, NUM_TOKENS, dtype=jnp.int64 if jax.config.read('jax_enable_x64') else jnp.int32)
    return {"x": x}

def reference(x) -> jnp.ndarray:
    # Faithful translation of OneHot.__call__: jax.nn.one_hot(x, num_tokens)
    return jax.nn.one_hot(x, NUM_TOKENS)

if __name__ == "__main__":
    import jax
    _d = setup_inputs()
    print(jax.jit(kernel)(*tuple(_d.values())))

</pallas_src>

<mosaic_0001>
#map = affine_map<(d0, d1) -> (0)>
module attributes {stable_mosaic.version = 14 : i64} {
  func.func @body(%arg0: i32, %arg1: i32, %arg2: memref<51200xi32, #tpu.memory_space<hbm>>, %arg3: memref<51200000xf32, #tpu.memory_space<hbm>>, %arg4: memref<1600xi32, #tpu.memory_space<vmem>>, %arg5: memref<100000xf32, #tpu.memory_space<vmem>>, %arg6: memref<25x64xi32, #tpu.memory_space<vmem>>, %arg7: memref<64xf32, #tpu.memory_space<vmem>>, %arg8: memref<!tpu.dma_semaphore, #tpu.memory_space<semaphore_mem>>, %arg9: memref<!tpu.dma_semaphore, #tpu.memory_space<semaphore_mem>>) attributes {dimension_semantics = [#tpu.dimension_semantics<core_parallel>, #tpu.dimension_semantics<subcore_parallel>], iteration_bounds = array<i64: 2, 16>, scalar_prefetch = 0 : i64, scratch_operands = 6 : i64, tpu.core_type = #tpu.core_type<sc_vector_subcore>, window_params = [{transform_indices = #map}, {transform_indices = #map}]} {
    %mul3A = arith.constant 2 : i32
    %mul3A_0 = arith.muli %arg1, %mul3A : i32
    %add3A = arith.addi %mul3A_0, %arg0 : i32
    %mul3A_1 = arith.constant 1600 : i32
    %mul3A_2 = arith.muli %add3A, %mul3A_1 : i32
    %multiple_of3A = tpu.assume_multiple %mul3A_2, 1600 : i32
    %broadcast_in_dim3A = arith.constant 0.000000e+00 : f32
    %broadcast_in_dim3A_3 = vector.broadcast %broadcast_in_dim3A : f32 to vector<16xf32>
    %scan3A = arith.constant 0 : i32
    %scan3A_4 = arith.constant 6248 : i32
    %scan3A_5 = arith.addi %scan3A, %scan3A_4 : i32
    %scan3A_6 = arith.constant 8 : i32
    scf.for %scan3A_512 = %scan3A to %scan3A_5 step %scan3A_6  : i32 {
      %mul3A_513 = arith.constant 16 : i32
      %mul3A_514 = arith.muli %scan3A_512, %mul3A_513 : i32
      %multiple_of3A_515 = tpu.assume_multiple %mul3A_514, 16 : i32
      %swap3A_516 = arith.index_cast %multiple_of3A_515 : i32 to index
      %swap3A_517 = tpu.vector_load %arg5[%swap3A_516] {strides = array<i32>} : memref<100000xf32, #tpu.memory_space<vmem>>, vector<16xf32>,
      %swap3A_518 = vector.shape_cast %swap3A_517 : vector<16xf32> to vector<16xf32>
      %swap3A_519 = vector.shape_cast %broadcast_in_dim3A_3 : vector<16xf32> to vector<16xf32>
      tpu.vector_store %arg5[%swap3A_516], %swap3A_519 {strides = array<i32>} : memref<100000xf32, #tpu.memory_space<vmem>>, vector<16xf32>,
      %scan3A_520 = arith.constant 1 : i32
      %scan3A_521 = arith.addi %scan3A_512, %scan3A_520 : i32
      %mul3A_522 = arith.constant 16 : i32
      %mul3A_523 = arith.muli %scan3A_521, %mul3A_522 : i32
      %multiple_of3A_524 = tpu.assume_multiple %mul3A_523, 16 : i32
      %swap3A_525 = arith.index_cast %multiple_of3A_524 : i32 to index
      %swap3A_526 = tpu.vector_load %arg5[%swap3A_525] {strides = array<i32>} : memref<100000xf32, #tpu.memory_space<vmem>>, vector<16xf32>,
      %swap3A_527 = vector.shape_cast %swap3A_526 : vector<16xf32> to vector<16xf32>
      %swap3A_528 = vector.shape_cast %broadcast_in_dim3A_3 : vector<16xf32> to vector<16xf32>
      tpu.vector_store %arg5[%swap3A_525], %swap3A_528 {strides = array<i32>} : memref<100000xf32, #tpu.memory_space<vmem>>, vector<16xf32>,
      %scan3A_529 = arith.constant 2 : i32
      %scan3A_530 = arith.addi %scan3A_512, %scan3A_529 : i32
      %mul3A_531 = arith.constant 16 : i32
      %mul3A_532 = arith.muli %scan3A_530, %mul3A_531 : i32
      %multiple_of3A_533 = tpu.assume_multiple %mul3A_532, 16 : i32
      %swap3A_534 = arith.index_cast %multiple_of3A_533 : i32 to index
      %swap3A_535 = tpu.vector_load %arg5[%swap3A_534] {strides = array<i32>} : memref<100000xf32, #tpu.memory_space<vmem>>, vector<16xf32>,
      %swap3A_536 = vector.shape_cast %swap3A_535 : vector<16xf32> to vector<16xf32>
      %swap3A_537 = vector.shape_cast %broadcast_in_dim3A_3 : vector<16xf32> to vector<16xf32>
      tpu.vector_store %arg5[%swap3A_534], %swap3A_537 {strides = array<i32>} : memref<100000xf32, #tpu.memory_space<vmem>>, vector<16xf32>,
      %scan3A_538 = arith.constant 3 : i32
      %scan3A_539 = arith.addi %scan3A_512, %scan3A_538 : i32
      %mul3A_540 = arith.constant 16 : i32
      %mul3A_541 = arith.muli %scan3A_539, %mul3A_540 : i32
      %multiple_of3A_542 = tpu.assume_multiple %mul3A_541, 16 : i32
      %swap3A_543 = arith.index_cast %multiple_of3A_542 : i32 to index
      %swap3A_544 = tpu.vector_load %arg5[%swap3A_543] {strides = array<i32>} : memref<100000xf32, #tpu.memory_space<vmem>>, vector<16xf32>,
      %swap3A_545 = vector.shape_cast %swap3A_544 : vector<16xf32> to vector<16xf32>
      %swap3A_546 = vector.shape_cast %broadcast_in_dim3A_3 : vector<16xf32> to vector<16xf32>
      tpu.vector_store %arg5[%swap3A_543], %swap3A_546 {strides = array<i32>} : memref<100000xf32, #tpu.memory_space<vmem>>, vector<16xf32>,
      %scan3A_547 = arith.constant 4 : i32
      %scan3A_548 = arith.addi %scan3A_512, %scan3A_547 : i32
      %mul3A_549 = arith.constant 16 : i32
      %mul3A_550 = arith.muli %scan3A_548, %mul3A_549 : i32
      %multiple_of3A_551 = tpu.assume_multiple %mul3A_550, 16 : i32
      %swap3A_552 = arith.index_cast %multiple_of3A_551 : i32 to index
      %swap3A_553 = tpu.vector_load %arg5[%swap3A_552] {strides = array<i32>} : memref<100000xf32, #tpu.memory_space<vmem>>, vector<16xf32>,
      %swap3A_554 = vector.shape_cast %swap3A_553 : vector<16xf32> to vector<16xf32>
      %swap3A_555 = vector.shape_cast %broadcast_in_dim3A_3 : vector<16xf32> to vector<16xf32>
      tpu.vector_store %arg5[%swap3A_552], %swap3A_555 {strides = array<i32>} : memref<100000xf32, #tpu.memory_space<vmem>>, vector<16xf32>,
      %scan3A_556 = arith.constant 5 : i32
      %scan3A_557 = arith.addi %scan3A_512, %scan3A_556 : i32
      %mul3A_558 = arith.constant 16 : i32
      %mul3A_559 = arith.muli %scan3A_557, %mul3A_558 : i32
      %multiple_of3A_560 = tpu.assume_multiple %mul3A_559, 16 : i32
      %swap3A_561 = arith.index_cast %multiple_of3A_560 : i32 to index
      %swap3A_562 = tpu.vector_load %arg5[%swap3A_561] {strides = array<i32>} : memref<100000xf32, #tpu.memory_space<vmem>>, vector<16xf32>,
      %swap3A_563 = vector.shape_cast %swap3A_562 : vector<16xf32> to vector<16xf32>
      %swap3A_564 = vector.shape_cast %broadcast_in_dim3A_3 : vector<16xf32> to vector<16xf32>
      tpu.vector_store %arg5[%swap3A_561], %swap3A_564 {strides = array<i32>} : memref<100000xf32, #tpu.memory_space<vmem>>, vector<16xf32>,
      %scan3A_565 = arith.constant 6 : i32
      %scan3A_566 = arith.addi %scan3A_512, %scan3A_565 : i32
      %mul3A_567 = arith.constant 16 : i32
      %mul3A_568 = arith.muli %scan3A_566, %mul3A_567 : i32
      %multiple_of3A_569 = tpu.assume_multiple %mul3A_568, 16 : i32
      %swap3A_570 = arith.index_cast %multiple_of3A_569 : i32 to index
      %swap3A_571 = tpu.vector_load %arg5[%swap3A_570] {strides = array<i32>} : memref<100000xf32, #tpu.memory_space<vmem>>, vector<16xf32>,
      %swap3A_572 = vector.shape_cast %swap3A_571 : vector<16xf32> to vector<16xf32>
      %swap3A_573 = vector.shape_cast %broadcast_in_dim3A_3 : vector<16xf32> to vector<16xf32>
      tpu.vector_store %arg5[%swap3A_570], %swap3A_573 {strides = array<i32>} : memref<100000xf32, #tpu.memory_space<vmem>>, vector<16xf32>,
      %scan3A_574 = arith.constant 7 : i32
      %scan3A_575 = arith.addi %scan3A_512, %scan3A_574 : i32
      %mul3A_576 = arith.constant 16 : i32
      %mul3A_577 = arith.muli %scan3A_575, %mul3A_576 : i32
      %multiple_of3A_578 = tpu.assume_multiple %mul3A_577, 16 : i32
      %swap3A_579 = arith.index_cast %multiple_of3A_578 : i32 to index
      %swap3A_580 = tpu.vector_load %arg5[%swap3A_579] {strides = array<i32>} : memref<100000xf32, #tpu.memory_space<vmem>>, vector<16xf32>,
      %swap3A_581 = vector.shape_cast %swap3A_580 : vector<16xf32> to vector<16xf32>
      %swap3A_582 = vector.shape_cast %broadcast_in_dim3A_3 : vector<16xf32> to vector<16xf32>
      tpu.vector_store %arg5[%swap3A_579], %swap3A_582 {strides = array<i32>} : memref<100000xf32, #tpu.memory_space<vmem>>, vector<16xf32>,
    }
    %scan3A_7 = arith.constant 6248 : i32
    %scan3A_8 = arith.addi %scan3A, %scan3A_7 : i32
    %mul3A_9 = arith.constant 16 : i32
    %mul3A_10 = arith.muli %scan3A_8, %mul3A_9 : i32
    %multiple_of3A_11 = tpu.assume_multiple %mul3A_10, 16 : i32
    %swap3A = arith.index_cast %multiple_of3A_11 : i32 to index
    %swap3A_12 = tpu.vector_load %arg5[%swap3A] {strides = array<i32>} : memref<100000xf32, #tpu.memory_space<vmem>>, vector<16xf32>,
    %swap3A_13 = vector.shape_cast %swap3A_12 : vector<16xf32> to vector<16xf32>
    %swap3A_14 = vector.shape_cast %broadcast_in_dim3A_3 : vector<16xf32> to vector<16xf32>
    tpu.vector_store %arg5[%swap3A], %swap3A_14 {strides = array<i32>} : memref<100000xf32, #tpu.memory_space<vmem>>, vector<16xf32>,
    %scan3A_15 = arith.constant 6249 : i32
    %scan3A_16 = arith.addi %scan3A, %scan3A_15 : i32
    %mul3A_17 = arith.constant 16 : i32
    %mul3A_18 = arith.muli %scan3A_16, %mul3A_17 : i32
    %multiple_of3A_19 = tpu.assume_multiple %mul3A_18, 16 : i32
    %swap3A_20 = arith.index_cast %multiple_of3A_19 : i32 to index
    %swap3A_21 = tpu.vector_load %arg5[%swap3A_20] {strides = array<i32>} : memref<100000xf32, #tpu.memory_space<vmem>>, vector<16xf32>,
    %swap3A_22 = vector.shape_cast %swap3A_21 : vector<16xf32> to vector<16xf32>
    %swap3A_23 = vector.shape_cast %broadcast_in_dim3A_3 : vector<16xf32> to vector<16xf32>
    tpu.vector_store %arg5[%swap3A_20], %swap3A_23 {strides = array<i32>} : memref<100000xf32, #tpu.memory_space<vmem>>, vector<16xf32>,
    %scan3A_24 = arith.constant 6250 : i32
    %mul3A_25 = arith.constant 1000 : i32
    %mul3A_26 = arith.muli %multiple_of3A, %mul3A_25 : i32
    %add3A_27 = arith.constant 0 : i32
    %add3A_28 = arith.addi %mul3A_26, %add3A_27 : i32
    %dma_start3A = tpu.memref_slice %arg3[%add3A_28] : memref<51200000xf32, #tpu.memory_space<hbm>> -> memref<100000xf32, #tpu.memory_space<hbm>>
    %dma_start3A_29 = tpu.memref_slice %arg3[%add3A_28] : memref<51200000xf32, #tpu.memory_space<hbm>> -> memref<100000xf32, #tpu.memory_space<hbm>>
    tpu.enqueue_dma source(%arg5 : memref<100000xf32, #tpu.memory_space<vmem>>) target(%dma_start3A_29 : memref<100000xf32, #tpu.memory_space<hbm>>) target_semaphore(%arg8 : memref<!tpu.dma_semaphore, #tpu.memory_space<semaphore_mem>>)
    %mul3A_30 = arith.constant 1000 : i32
    %mul3A_31 = arith.muli %multiple_of3A, %mul3A_30 : i32
    %add3A_32 = arith.constant 100000 : i32
    %add3A_33 = arith.addi %mul3A_31, %add3A_32 : i32
    %dma_start3A_34 = tpu.memref_slice %arg3[%add3A_33] : memref<51200000xf32, #tpu.memory_space<hbm>> -> memref<100000xf32, #tpu.memory_space<hbm>>
    %dma_start3A_35 = tpu.memref_slice %arg3[%add3A_33] : memref<51200000xf32, #tpu.memory_space<hbm>> -> memref<100000xf32, #tpu.memory_space<hbm>>
    tpu.enqueue_dma source(%arg5 : memref<100000xf32, #tpu.memory_space<vmem>>) target(%dma_start3A_35 : memref<100000xf32, #tpu.memory_space<hbm>>) target_semaphore(%arg8 : memref<!tpu.dma_semaphore, #tpu.memory_space<semaphore_mem>>)
    %mul3A_36 = arith.constant 1000 : i32
    %mul3A_37 = arith.muli %multiple_of3A, %mul3A_36 : i32
    %add3A_38 = arith.constant 200000 : i32
    %add3A_39 = arith.addi %mul3A_37, %add3A_38 : i32
    %dma_start3A_40 = tpu.memref_slice %arg3[%add3A_39] : memref<51200000xf32, #tpu.memory_space<hbm>> -> memref<100000xf32, #tpu.memory_space<hbm>>
    %dma_start3A_41 = tpu.memref_slice %arg3[%add3A_39] : memref<51200000xf32, #tpu.memory_space<hbm>> -> memref<100000xf32, #tpu.memory_space<hbm>>
    tpu.enqueue_dma source(%arg5 : memref<100000xf32, #tpu.memory_space<vmem>>) target(%dma_start3A_41 : memref<100000xf32, #tpu.memory_space<hbm>>) target_semaphore(%arg8 : memref<!tpu.dma_semaphore, #tpu.memory_space<semaphore_mem>>)
    %mul3A_42 = arith.constant 1000 : i32
    %mul3A_43 = arith.muli %multiple_of3A, %mul3A_42 : i32
    %add3A_44 = arith.constant 300000 : i32
    %add3A_45 = arith.addi %mul3A_43, %add3A_44 : i32
    %dma_start3A_46 = tpu.memref_slice %arg3[%add3A_45] : memref<51200000xf32, #tpu.memory_space<hbm>> -> memref<100000xf32, #tpu.memory_space<hbm>>
    %dma_start3A_47 = tpu.memref_slice %arg3[%add3A_45] : memref<51200000xf32, #tpu.memory_space<hbm>> -> memref<100000xf32, #tpu.memory_space<hbm>>
    tpu.enqueue_dma source(%arg5 : memref<100000xf32, #tpu.memory_space<vmem>>) target(%dma_start3A_47 : memref<100000xf32, #tpu.memory_space<hbm>>) target_semaphore(%arg8 : memref<!tpu.dma_semaphore, #tpu.memory_space<semaphore_mem>>)
    %mul3A_48 = arith.constant 1000 : i32
    %mul3A_49 = arith.muli %multiple_of3A, %mul3A_48 : i32
    %add3A_50 = arith.constant 400000 : i32
    %add3A_51 = arith.addi %mul3A_49, %add3A_50 : i32
    %dma_start3A_52 = tpu.memref_slice %arg3[%add3A_51] : memref<51200000xf32, #tpu.memory_space<hbm>> -> memref<100000xf32, #tpu.memory_space<hbm>>
    %dma_start3A_53 = tpu.memref_slice %arg3[%add3A_51] : memref<51200000xf32, #tpu.memory_space<hbm>> -> memref<100000xf32, #tpu.memory_space<hbm>>
    tpu.enqueue_dma source(%arg5 : memref<100000xf32, #tpu.memory_space<vmem>>) target(%dma_start3A_53 : memref<100000xf32, #tpu.memory_space<hbm>>) target_semaphore(%arg8 : memref<!tpu.dma_semaphore, #tpu.memory_space<semaphore_mem>>)
    %mul3A_54 = arith.constant 1000 : i32
    %mul3A_55 = arith.muli %multiple_of3A, %mul3A_54 : i32
    %add3A_56 = arith.constant 500000 : i32
    %add3A_57 = arith.addi %mul3A_55, %add3A_56 : i32
    %dma_start3A_58 = tpu.memref_slice %arg3[%add3A_57] : memref<51200000xf32, #tpu.memory_space<hbm>> -> memref<100000xf32, #tpu.memory_space<hbm>>
    %dma_start3A_59 = tpu.memref_slice %arg3[%add3A_57] : memref<51200000xf32, #tpu.memory_space<hbm>> -> memref<100000xf32, #tpu.memory_space<hbm>>
    tpu.enqueue_dma source(%arg5 : memref<100000xf32, #tpu.memory_space<vmem>>) target(%dma_start3A_59 : memref<100000xf32, #tpu.memory_space<hbm>>) target_semaphore(%arg8 : memref<!tpu.dma_semaphore, #tpu.memory_space<semaphore_mem>>)
    %mul3A_60 = arith.constant 1000 : i32
    %mul3A_61 = arith.muli %multiple_of3A, %mul3A_60 : i32
    %add3A_62 = arith.constant 600000 : i32
    %add3A_63 = arith.addi %mul3A_61, %add3A_62 : i32
    %dma_start3A_64 = tpu.memref_slice %arg3[%add3A_63] : memref<51200000xf32, #tpu.memory_space<hbm>> -> memref<100000xf32, #tpu.memory_space<hbm>>
    %dma_start3A_65 = tpu.memref_slice %arg3[%add3A_63] : memref<51200000xf32, #tpu.memory_space<hbm>> -> memref<100000xf32, #tpu.memory_space<hbm>>
    tpu.enqueue_dma source(%arg5 : memref<100000xf32, #tpu.memory_space<vmem>>) target(%dma_start3A_65 : memref<100000xf32, #tpu.memory_space<hbm>>) target_semaphore(%arg8 : memref<!tpu.dma_semaphore, #tpu.memory_space<semaphore_mem>>)
    %mul3A_66 = arith.constant 1000 : i32
    %mul3A_67 = arith.muli %multiple_of3A, %mul3A_66 : i32
    %add3A_68 = arith.constant 700000 : i32
    %add3A_69 = arith.addi %mul3A_67, %add3A_68 : i32
    %dma_start3A_70 = tpu.memref_slice %arg3[%add3A_69] : memref<51200000xf32, #tpu.memory_space<hbm>> -> memref<100000xf32, #tpu.memory_space<hbm>>
    %dma_start3A_71 = tpu.memref_slice %arg3[%add3A_69] : memref<51200000xf32, #tpu.memory_space<hbm>> -> memref<100000xf32, #tpu.memory_space<hbm>>
    tpu.enqueue_dma source(%arg5 : memref<100000xf32, #tpu.memory_space<vmem>>) target(%dma_start3A_71 : memref<100000xf32, #tpu.memory_space<hbm>>) target_semaphore(%arg8 : memref<!tpu.dma_semaphore, #tpu.memory_space<semaphore_mem>>)
    %mul3A_72 = arith.constant 1000 : i32
    %mul3A_73 = arith.muli %multiple_of3A, %mul3A_72 : i32
    %add3A_74 = arith.constant 800000 : i32
    %add3A_75 = arith.addi %mul3A_73, %add3A_74 : i32
    %dma_start3A_76 = tpu.memref_slice %arg3[%add3A_75] : memref<51200000xf32, #tpu.memory_space<hbm>> -> memref<100000xf32, #tpu.memory_space<hbm>>
    %dma_start3A_77 = tpu.memref_slice %arg3[%add3A_75] : memref<51200000xf32, #tpu.memory_space<hbm>> -> memref<100000xf32, #tpu.memory_space<hbm>>
    tpu.enqueue_dma source(%arg5 : memref<100000xf32, #tpu.memory_space<vmem>>) target(%dma_start3A_77 : memref<100000xf32, #tpu.memory_space<hbm>>) target_semaphore(%arg8 : memref<!tpu.dma_semaphore, #tpu.memory_space<semaphore_mem>>)
    %mul3A_78 = arith.constant 1000 : i32
    %mul3A_79 = arith.muli %multiple_of3A, %mul3A_78 : i32
    %add3A_80 = arith.constant 900000 : i32
    %add3A_81 = arith.addi %mul3A_79, %add3A_80 : i32
    %dma_start3A_82 = tpu.memref_slice %arg3[%add3A_81] : memref<51200000xf32, #tpu.memory_space<hbm>> -> memref<100000xf32, #tpu.memory_space<hbm>>
    %dma_start3A_83 = tpu.memref_slice %arg3[%add3A_81] : memref<51200000xf32, #tpu.memory_space<hbm>> -> memref<100000xf32, #tpu.memory_space<hbm>>
    tpu.enqueue_dma source(%arg5 : memref<100000xf32, #tpu.memory_space<vmem>>) target(%dma_start3A_83 : memref<100000xf32, #tpu.memory_space<hbm>>) target_semaphore(%arg8 : memref<!tpu.dma_semaphore, #tpu.memory_space<semaphore_mem>>)
    %mul3A_84 = arith.constant 1000 : i32
    %mul3A_85 = arith.muli %multiple_of3A, %mul3A_84 : i32
    %add3A_86 = arith.constant 1000000 : i32
    %add3A_87 = arith.addi %mul3A_85, %add3A_86 : i32
    %dma_start3A_88 = tpu.memref_slice %arg3[%add3A_87] : memref<51200000xf32, #tpu.memory_space<hbm>> -> memref<100000xf32, #tpu.memory_space<hbm>>
    %dma_start3A_89 = tpu.memref_slice %arg3[%add3A_87] : memref<51200000xf32, #tpu.memory_space<hbm>> -> memref<100000xf32, #tpu.memory_space<hbm>>
    tpu.enqueue_dma source(%arg5 : memref<100000xf32, #tpu.memory_space<vmem>>) target(%dma_start3A_89 : memref<100000xf32, #tpu.memory_space<hbm>>) target_semaphore(%arg8 : memref<!tpu.dma_semaphore, #tpu.memory_space<semaphore_mem>>)
    %mul3A_90 = arith.constant 1000 : i32
    %mul3A_91 = arith.muli %multiple_of3A, %mul3A_90 : i32
    %add3A_92 = arith.constant 1100000 : i32
    %add3A_93 = arith.addi %mul3A_91, %add3A_92 : i32
    %dma_start3A_94 = tpu.memref_slice %arg3[%add3A_93] : memref<51200000xf32, #tpu.memory_space<hbm>> -> memref<100000xf32, #tpu.memory_space<hbm>>
    %dma_start3A_95 = tpu.memref_slice %arg3[%add3A_93] : memref<51200000xf32, #tpu.memory_space<hbm>> -> memref<100000xf32, #tpu.memory_space<hbm>>
    tpu.enqueue_dma source(%arg5 : memref<100000xf32, #tpu.memory_space<vmem>>) target(%dma_start3A_95 : memref<100000xf32, #tpu.memory_space<hbm>>) target_semaphore(%arg8 : memref<!tpu.dma_semaphore, #tpu.memory_space<semaphore_mem>>)
    %mul3A_96 = arith.constant 1000 : i32
    %mul3A_97 = arith.muli %multiple_of3A, %mul3A_96 : i32
    %add3A_98 = arith.constant 1200000 : i32
    %add3A_99 = arith.addi %mul3A_97, %add3A_98 : i32
    %dma_start3A_100 = tpu.memref_slice %arg3[%add3A_99] : memref<51200000xf32, #tpu.memory_space<hbm>> -> memref<100000xf32, #tpu.memory_space<hbm>>
    %dma_start3A_101 = tpu.memref_slice %arg3[%add3A_99] : memref<51200000xf32, #tpu.memory_space<hbm>> -> memref<100000xf32, #tpu.memory_space<hbm>>
    tpu.enqueue_dma source(%arg5 : memref<100000xf32, #tpu.memory_space<vmem>>) target(%dma_start3A_101 : memref<100000xf32, #tpu.memory_space<hbm>>) target_semaphore(%arg8 : memref<!tpu.dma_semaphore, #tpu.memory_space<semaphore_mem>>)
    %mul3A_102 = arith.constant 1000 : i32
    %mul3A_103 = arith.muli %multiple_of3A, %mul3A_102 : i32
    %add3A_104 = arith.constant 1300000 : i32
    %add3A_105 = arith.addi %mul3A_103, %add3A_104 : i32
    %dma_start3A_106 = tpu.memref_slice %arg3[%add3A_105] : memref<51200000xf32, #tpu.memory_space<hbm>> -> memref<100000xf32, #tpu.memory_space<hbm>>
    %dma_start3A_107 = tpu.memref_slice %arg3[%add3A_105] : memref<51200000xf32, #tpu.memory_space<hbm>> -> memref<100000xf32, #tpu.memory_space<hbm>>
    tpu.enqueue_dma source(%arg5 : memref<100000xf32, #tpu.memory_space<vmem>>) target(%dma_start3A_107 : memref<100000xf32, #tpu.memory_space<hbm>>) target_semaphore(%arg8 : memref<!tpu.dma_semaphore, #tpu.memory_space<semaphore_mem>>)
    %mul3A_108 = arith.constant 1000 : i32
    %mul3A_109 = arith.muli %multiple_of3A, %mul3A_108 : i32
    %add3A_110 = arith.constant 1400000 : i32
    %add3A_111 = arith.addi %mul3A_109, %add3A_110 : i32
    %dma_start3A_112 = tpu.memref_slice %arg3[%add3A_111] : memref<51200000xf32, #tpu.memory_space<hbm>> -> memref<100000xf32, #tpu.memory_space<hbm>>
    %dma_start3A_113 = tpu.memref_slice %arg3[%add3A_111] : memref<51200000xf32, #tpu.memory_space<hbm>> -> memref<100000xf32, #tpu.memory_space<hbm>>
    tpu.enqueue_dma source(%arg5 : memref<100000xf32, #tpu.memory_space<vmem>>) target(%dma_start3A_113 : memref<100000xf32, #tpu.memory_space<hbm>>) target_semaphore(%arg8 : memref<!tpu.dma_semaphore, #tpu.memory_space<semaphore_mem>>)
    %mul3A_114 = arith.constant 1000 : i32
    %mul3A_115 = arith.muli %multiple_of3A, %mul3A_114 : i32
    %add3A_116 = arith.constant 1500000 : i32
    %add3A_117 = arith.addi %mul3A_115, %add3A_116 : i32
    %dma_start3A_118 = tpu.memref_slice %arg3[%add3A_117] : memref<51200000xf32, #tpu.memory_space<hbm>> -> memref<100000xf32, #tpu.memory_space<hbm>>
    %dma_start3A_119 = tpu.memref_slice %arg3[%add3A_117] : memref<51200000xf32, #tpu.memory_space<hbm>> -> memref<100000xf32, #tpu.memory_space<hbm>>
    tpu.enqueue_dma source(%arg5 : memref<100000xf32, #tpu.memory_space<vmem>>) target(%dma_start3A_119 : memref<100000xf32, #tpu.memory_space<hbm>>) target_semaphore(%arg8 : memref<!tpu.dma_semaphore, #tpu.memory_space<semaphore_mem>>)
    "tpu.region"() ({
      %run_scoped3A = tpu.sem_alloc : memref<!tpu.dma_semaphore, #tpu.memory_space<semaphore_mem>>
      %dma_start3A_512 = tpu.memref_slice %arg2[%multiple_of3A] : memref<51200xi32, #tpu.memory_space<hbm>> -> memref<1600xi32, #tpu.memory_space<hbm>>
      %dma_start3A_513 = tpu.memref_slice %arg2[%multiple_of3A] : memref<51200xi32, #tpu.memory_space<hbm>> -> memref<1600xi32, #tpu.memory_space<hbm>>
      tpu.enqueue_dma source(%dma_start3A_513 : memref<1600xi32, #tpu.memory_space<hbm>>) target(%arg4 : memref<1600xi32, #tpu.memory_space<vmem>>) target_semaphore(%run_scoped3A : memref<!tpu.dma_semaphore, #tpu.memory_space<semaphore_mem>>)
      %dma_wait3A_514 = tpu.memref_slice %arg2[%multiple_of3A] : memref<51200xi32, #tpu.memory_space<hbm>> -> memref<1600xi32, #tpu.memory_space<hbm>>
      %dma_wait3A_515 = tpu.memref_slice %arg2[%multiple_of3A] : memref<51200xi32, #tpu.memory_space<hbm>> -> memref<1600xi32, #tpu.memory_space<hbm>>
      tpu.wait_dma2 semaphore(%run_scoped3A : memref<!tpu.dma_semaphore, #tpu.memory_space<semaphore_mem>>) src(%dma_wait3A_515 : memref<1600xi32, #tpu.memory_space<hbm>>) dst(%arg4 : memref<1600xi32, #tpu.memory_space<vmem>>)
      tpu.yield
    }) : () -> ()
    %iota3A = tpu.iota {dimensions = array<i32: 0>} : vector<16xi32>
    %broadcast_in_dim3A_120 = arith.constant 1.000000e+00 : f32
    %broadcast_in_dim3A_121 = vector.broadcast %broadcast_in_dim3A_120 : f32 to vector<16xf32>
    %swap3A_122 = arith.constant 0 : index
    %swap3A_123 = tpu.vector_load %arg7[%swap3A_122] {strides = array<i32>} : memref<64xf32, #tpu.memory_space<vmem>>, vector<16xf32>,
    %swap3A_124 = vector.shape_cast %swap3A_123 : vector<16xf32> to vector<16xf32>
    %swap3A_125 = vector.shape_cast %broadcast_in_dim3A_121 : vector<16xf32> to vector<16xf32>
    tpu.vector_store %arg7[%swap3A_122], %swap3A_125 {strides = array<i32>} : memref<64xf32, #tpu.memory_space<vmem>>, vector<16xf32>,
    %broadcast_in_dim3A_126 = arith.constant 1.000000e+00 : f32
    %broadcast_in_dim3A_127 = vector.broadcast %broadcast_in_dim3A_126 : f32 to vector<16xf32>
    %swap3A_128 = arith.constant 16 : index
    %swap3A_129 = tpu.vector_load %arg7[%swap3A_128] {strides = array<i32>} : memref<64xf32, #tpu.memory_space<vmem>>, vector<16xf32>,
    %swap3A_130 = vector.shape_cast %swap3A_129 : vector<16xf32> to vector<16xf32>
    %swap3A_131 = vector.shape_cast %broadcast_in_dim3A_127 : vector<16xf32> to vector<16xf32>
    tpu.vector_store %arg7[%swap3A_128], %swap3A_131 {strides = array<i32>} : memref<64xf32, #tpu.memory_space<vmem>>, vector<16xf32>,
    %broadcast_in_dim3A_132 = arith.constant 1.000000e+00 : f32
    %broadcast_in_dim3A_133 = vector.broadcast %broadcast_in_dim3A_132 : f32 to vector<16xf32>
    %swap3A_134 = arith.constant 32 : index
    %swap3A_135 = tpu.vector_load %arg7[%swap3A_134] {strides = array<i32>} : memref<64xf32, #tpu.memory_space<vmem>>, vector<16xf32>,
    %swap3A_136 = vector.shape_cast %swap3A_135 : vector<16xf32> to vector<16xf32>
    %swap3A_137 = vector.shape_cast %broadcast_in_dim3A_133 : vector<16xf32> to vector<16xf32>
    tpu.vector_store %arg7[%swap3A_134], %swap3A_137 {strides = array<i32>} : memref<64xf32, #tpu.memory_space<vmem>>, vector<16xf32>,
    %broadcast_in_dim3A_138 = arith.constant 1.000000e+00 : f32
    %broadcast_in_dim3A_139 = vector.broadcast %broadcast_in_dim3A_138 : f32 to vector<16xf32>
    %swap3A_140 = arith.constant 48 : index
    %swap3A_141 = tpu.vector_load %arg7[%swap3A_140] {strides = array<i32>} : memref<64xf32, #tpu.memory_space<vmem>>, vector<16xf32>,
    %swap3A_142 = vector.shape_cast %swap3A_141 : vector<16xf32> to vector<16xf32>
    %swap3A_143 = vector.shape_cast %broadcast_in_dim3A_139 : vector<16xf32> to vector<16xf32>
    tpu.vector_store %arg7[%swap3A_140], %swap3A_143 {strides = array<i32>} : memref<64xf32, #tpu.memory_space<vmem>>, vector<16xf32>,
    %scan3A_144 = arith.constant 0 : i32
    %scan3A_145 = arith.constant 25 : i32
    %scan3A_146 = arith.addi %scan3A_144, %scan3A_145 : i32
    %scan3A_147 = arith.constant 1 : i32
    scf.for %scan3A_512 = %scan3A_144 to %scan3A_146 step %scan3A_147  : i32 {
      %mul3A_513 = arith.constant 64 : i32
      %mul3A_514 = arith.muli %scan3A_512, %mul3A_513 : i32
      %add3A_515 = arith.addi %multiple_of3A, %mul3A_514 : i32
      %mul3A_516 = arith.constant 64 : i32
      %mul3A_517 = arith.muli %scan3A_512, %mul3A_516 : i32
      %add3A_518 = arith.constant 0 : i32
      %add3A_519 = arith.addi %mul3A_517, %add3A_518 : i32
      %get3A = arith.index_cast %add3A_519 : i32 to index
      %get3A_520 = tpu.vector_load %arg4[%get3A] {strides = array<i32>} : memref<1600xi32, #tpu.memory_space<vmem>>, vector<16xi32>,
      %get3A_521 = vector.shape_cast %get3A_520 : vector<16xi32> to vector<16xi32>
      %add3A_522 = arith.constant 0 : i32
      %add3A_523 = arith.addi %add3A_515, %add3A_522 : i32
      %add3A_524 = vector.broadcast %add3A_523 : i32 to vector<16xi32>
      %add3A_525 = arith.addi %add3A_524, %iota3A : vector<16xi32>
      %mul3A_526 = arith.constant 1000 : i32
      %mul3A_527 = vector.broadcast %mul3A_526 : i32 to vector<16xi32>
      %mul3A_528 = arith.muli %add3A_525, %mul3A_527 : vector<16xi32>
      %add3A_529 = arith.addi %mul3A_528, %get3A_521 : vector<16xi32>
      %swap3A_530 = arith.index_cast %scan3A_512 : i32 to index
      %swap3A_531 = arith.constant 0 : index
      %swap3A_532 = tpu.vector_load %arg6[%swap3A_530, %swap3A_531] {strides = array<i32>} : memref<25x64xi32, #tpu.memory_space<vmem>>, vector<1x16xi32>,
      %swap3A_533 = vector.shape_cast %swap3A_532 : vector<1x16xi32> to vector<16xi32>
      %swap3A_534 = vector.shape_cast %add3A_529 : vector<16xi32> to vector<1x16xi32>
      tpu.vector_store %arg6[%swap3A_530, %swap3A_531], %swap3A_534 {strides = array<i32>} : memref<25x64xi32, #tpu.memory_space<vmem>>, vector<1x16xi32>,
      %mul3A_535 = arith.constant 64 : i32
      %mul3A_536 = arith.muli %scan3A_512, %mul3A_535 : i32
      %add3A_537 = arith.constant 16 : i32
      %add3A_538 = arith.addi %mul3A_536, %add3A_537 : i32
      %get3A_539 = arith.index_cast %add3A_538 : i32 to index
      %get3A_540 = tpu.vector_load %arg4[%get3A_539] {strides = array<i32>} : memref<1600xi32, #tpu.memory_space<vmem>>, vector<16xi32>,
      %get3A_541 = vector.shape_cast %get3A_540 : vector<16xi32> to vector<16xi32>
      %add3A_542 = arith.constant 16 : i32
      %add3A_543 = arith.addi %add3A_515, %add3A_542 : i32
      %add3A_544 = vector.broadcast %add3A_543 : i32 to vector<16xi32>
      %add3A_545 = arith.addi %add3A_544, %iota3A : vector<16xi32>
      %mul3A_546 = arith.constant 1000 : i32
      %mul3A_547 = vector.broadcast %mul3A_546 : i32 to vector<16xi32>
      %mul3A_548 = arith.muli %add3A_545, %mul3A_547 : vector<16xi32>
      %add3A_549 = arith.addi %mul3A_548, %get3A_541 : vector<16xi32>
      %swap3A_550 = arith.index_cast %scan3A_512 : i32 to index
      %swap3A_551 = arith.constant 16 : index
      %swap3A_552 = tpu.vector_load %arg6[%swap3A_550, %swap3A_551] {strides = array<i32>} : memref<25x64xi32, #tpu.memory_space<vmem>>, vector<1x16xi32>,
      %swap3A_553 = vector.shape_cast %swap3A_552 : vector<1x16xi32> to vector<16xi32>
      %swap3A_554 = vector.shape_cast %add3A_549 : vector<16xi32> to vector<1x16xi32>
      tpu.vector_store %arg6[%swap3A_550, %swap3A_551], %swap3A_554 {strides = array<i32>} : memref<25x64xi32, #tpu.memory_space<vmem>>, vector<1x16xi32>,
      %mul3A_555 = arith.constant 64 : i32
      %mul3A_556 = arith.muli %scan3A_512, %mul3A_555 : i32
      %add3A_557 = arith.constant 32 : i32
      %add3A_558 = arith.addi %mul3A_556, %add3A_557 : i32
      %get3A_559 = arith.index_cast %add3A_558 : i32 to index
      %get3A_560 = tpu.vector_load %arg4[%get3A_559] {strides = array<i32>} : memref<1600xi32, #tpu.memory_space<vmem>>, vector<16xi32>,
      %get3A_561 = vector.shape_cast %get3A_560 : vector<16xi32> to vector<16xi32>
      %add3A_562 = arith.constant 32 : i32
      %add3A_563 = arith.addi %add3A_515, %add3A_562 : i32
      %add3A_564 = vector.broadcast %add3A_563 : i32 to vector<16xi32>
      %add3A_565 = arith.addi %add3A_564, %iota3A : vector<16xi32>
      %mul3A_566 = arith.constant 1000 : i32
      %mul3A_567 = vector.broadcast %mul3A_566 : i32 to vector<16xi32>
      %mul3A_568 = arith.muli %add3A_565, %mul3A_567 : vector<16xi32>
      %add3A_569 = arith.addi %mul3A_568, %get3A_561 : vector<16xi32>
      %swap3A_570 = arith.index_cast %scan3A_512 : i32 to index
      %swap3A_571 = arith.constant 32 : index
      %swap3A_572 = tpu.vector_load %arg6[%swap3A_570, %swap3A_571] {strides = array<i32>} : memref<25x64xi32, #tpu.memory_space<vmem>>, vector<1x16xi32>,
      %swap3A_573 = vector.shape_cast %swap3A_572 : vector<1x16xi32> to vector<16xi32>
      %swap3A_574 = vector.shape_cast %add3A_569 : vector<16xi32> to vector<1x16xi32>
      tpu.vector_store %arg6[%swap3A_570, %swap3A_571], %swap3A_574 {strides = array<i32>} : memref<25x64xi32, #tpu.memory_space<vmem>>, vector<1x16xi32>,
      %mul3A_575 = arith.constant 64 : i32
      %mul3A_576 = arith.muli %scan3A_512, %mul3A_575 : i32
      %add3A_577 = arith.constant 48 : i32
      %add3A_578 = arith.addi %mul3A_576, %add3A_577 : i32
      %get3A_579 = arith.index_cast %add3A_578 : i32 to index
      %get3A_580 = tpu.vector_load %arg4[%get3A_579] {strides = array<i32>} : memref<1600xi32, #tpu.memory_space<vmem>>, vector<16xi32>,
      %get3A_581 = vector.shape_cast %get3A_580 : vector<16xi32> to vector<16xi32>
      %add3A_582 = arith.constant 48 : i32
      %add3A_583 = arith.addi %add3A_515, %add3A_582 : i32
      %add3A_584 = vector.broadcast %add3A_583 : i32 to vector<16xi32>
      %add3A_585 = arith.addi %add3A_584, %iota3A : vector<16xi32>
      %mul3A_586 = arith.constant 1000 : i32
      %mul3A_587 = vector.broadcast %mul3A_586 : i32 to vector<16xi32>
      %mul3A_588 = arith.muli %add3A_585, %mul3A_587 : vector<16xi32>
      %add3A_589 = arith.addi %mul3A_588, %get3A_581 : vector<16xi32>
      %swap3A_590 = arith.index_cast %scan3A_512 : i32 to index
      %swap3A_591 = arith.constant 48 : index
      %swap3A_592 = tpu.vector_load %arg6[%swap3A_590, %swap3A_591] {strides = array<i32>} : memref<25x64xi32, #tpu.memory_space<vmem>>, vector<1x16xi32>,
      %swap3A_593 = vector.shape_cast %swap3A_592 : vector<1x16xi32> to vector<16xi32>
      %swap3A_594 = vector.shape_cast %add3A_589 : vector<16xi32> to vector<1x16xi32>
      tpu.vector_store %arg6[%swap3A_590, %swap3A_591], %swap3A_594 {strides = array<i32>} : memref<25x64xi32, #tpu.memory_space<vmem>>, vector<1x16xi32>,
    }
    %scan3A_148 = arith.constant 25 : i32
    %dma_wait3A = arith.constant 0 : i32
    %dma_wait3A_149 = tpu.memref_slice %arg3[%dma_wait3A] : memref<51200000xf32, #tpu.memory_space<hbm>> -> memref<100000xf32, #tpu.memory_space<hbm>>
    %dma_wait3A_150 = arith.constant 0 : i32
    %dma_wait3A_151 = tpu.memref_slice %arg3[%dma_wait3A_150] : memref<51200000xf32, #tpu.memory_space<hbm>> -> memref<100000xf32, #tpu.memory_space<hbm>>
    tpu.wait_dma2 semaphore(%arg8 : memref<!tpu.dma_semaphore, #tpu.memory_space<semaphore_mem>>) src(%arg5 : memref<100000xf32, #tpu.memory_space<vmem>>) dst(%dma_wait3A_151 : memref<100000xf32, #tpu.memory_space<hbm>>)
    %dma_wait3A_152 = arith.constant 0 : i32
    %dma_wait3A_153 = tpu.memref_slice %arg3[%dma_wait3A_152] : memref<51200000xf32, #tpu.memory_space<hbm>> -> memref<100000xf32, #tpu.memory_space<hbm>>
    %dma_wait3A_154 = arith.constant 0 : i32
    %dma_wait3A_155 = tpu.memref_slice %arg3[%dma_wait3A_154] : memref<51200000xf32, #tpu.memory_space<hbm>> -> memref<100000xf32, #tpu.memory_space<hbm>>
    tpu.wait_dma2 semaphore(%arg8 : memref<!tpu.dma_semaphore, #tpu.memory_space<semaphore_mem>>) src(%arg5 : memref<100000xf32, #tpu.memory_space<vmem>>) dst(%dma_wait3A_155 : memref<100000xf32, #tpu.memory_space<hbm>>)
    %dma_wait3A_156 = arith.constant 0 : i32
    %dma_wait3A_157 = tpu.memref_slice %arg3[%dma_wait3A_156] : memref<51200000xf32, #tpu.memory_space<hbm>> -> memref<100000xf32, #tpu.memory_space<hbm>>
    %dma_wait3A_158 = arith.constant 0 : i32
    %dma_wait3A_159 = tpu.memref_slice %arg3[%dma_wait3A_158] : memref<51200000xf32, #tpu.memory_space<hbm>> -> memref<100000xf32, #tpu.memory_space<hbm>>
    tpu.wait_dma2 semaphore(%arg8 : memref<!tpu.dma_semaphore, #tpu.memory_space<semaphore_mem>>) src(%arg5 : memref<100000xf32, #tpu.memory_space<vmem>>) dst(%dma_wait3A_159 : memref<100000xf32, #tpu.memory_space<hbm>>)
    %dma_wait3A_160 = arith.constant 0 : i32
    %dma_wait3A_161 = tpu.memref_slice %arg3[%dma_wait3A_160] : memref<51200000xf32, #tpu.memory_space<hbm>> -> memref<100000xf32, #tpu.memory_space<hbm>>
    %dma_wait3A_162 = arith.constant 0 : i32
    %dma_wait3A_163 = tpu.memref_slice %arg3[%dma_wait3A_162] : memref<51200000xf32, #tpu.memory_space<hbm>> -> memref<100000xf32, #tpu.memory_space<hbm>>
    tpu.wait_dma2 semaphore(%arg8 : memref<!tpu.dma_semaphore, #tpu.memory_space<semaphore_mem>>) src(%arg5 : memref<100000xf32, #tpu.memory_space<vmem>>) dst(%dma_wait3A_163 : memref<100000xf32, #tpu.memory_space<hbm>>)
    %dma_wait3A_164 = arith.constant 0 : i32
    %dma_wait3A_165 = tpu.memref_slice %arg3[%dma_wait3A_164] : memref<51200000xf32, #tpu.memory_space<hbm>> -> memref<100000xf32, #tpu.memory_space<hbm>>
    %dma_wait3A_166 = arith.constant 0 : i32
    %dma_wait3A_167 = tpu.memref_slice %arg3[%dma_wait3A_166] : memref<51200000xf32, #tpu.memory_space<hbm>> -> memref<100000xf32, #tpu.memory_space<hbm>>
    tpu.wait_dma2 semaphore(%arg8 : memref<!tpu.dma_semaphore, #tpu.memory_space<semaphore_mem>>) src(%arg5 : memref<100000xf32, #tpu.memory_space<vmem>>) dst(%dma_wait3A_167 : memref<100000xf32, #tpu.memory_space<hbm>>)
    %dma_wait3A_168 = arith.constant 0 : i32
    %dma_wait3A_169 = tpu.memref_slice %arg3[%dma_wait3A_168] : memref<51200000xf32, #tpu.memory_space<hbm>> -> memref<100000xf32, #tpu.memory_space<hbm>>
    %dma_wait3A_170 = arith.constant 0 : i32
    %dma_wait3A_171 = tpu.memref_slice %arg3[%dma_wait3A_170] : memref<51200000xf32, #tpu.memory_space<hbm>> -> memref<100000xf32, #tpu.memory_space<hbm>>
    tpu.wait_dma2 semaphore(%arg8 : memref<!tpu.dma_semaphore, #tpu.memory_space<semaphore_mem>>) src(%arg5 : memref<100000xf32, #tpu.memory_space<vmem>>) dst(%dma_wait3A_171 : memref<100000xf32, #tpu.memory_space<hbm>>)
    %dma_wait3A_172 = arith.constant 0 : i32
    %dma_wait3A_173 = tpu.memref_slice %arg3[%dma_wait3A_172] : memref<51200000xf32, #tpu.memory_space<hbm>> -> memref<100000xf32, #tpu.memory_space<hbm>>
    %dma_wait3A_174 = arith.constant 0 : i32
    %dma_wait3A_175 = tpu.memref_slice %arg3[%dma_wait3A_174] : memref<51200000xf32, #tpu.memory_space<hbm>> -> memref<100000xf32, #tpu.memory_space<hbm>>
    tpu.wait_dma2 semaphore(%arg8 : memref<!tpu.dma_semaphore, #tpu.memory_space<semaphore_mem>>) src(%arg5 : memref<100000xf32, #tpu.memory_space<vmem>>) dst(%dma_wait3A_175 : memref<100000xf32, #tpu.memory_space<hbm>>)
    %dma_wait3A_176 = arith.constant 0 : i32
    %dma_wait3A_177 = tpu.memref_slice %arg3[%dma_wait3A_176] : memref<51200000xf32, #tpu.memory_space<hbm>> -> memref<100000xf32, #tpu.memory_space<hbm>>
    %dma_wait3A_178 = arith.constant 0 : i32
    %dma_wait3A_179 = tpu.memref_slice %arg3[%dma_wait3A_178] : memref<51200000xf32, #tpu.memory_space<hbm>> -> memref<100000xf32, #tpu.memory_space<hbm>>
    tpu.wait_dma2 semaphore(%arg8 : memref<!tpu.dma_semaphore, #tpu.memory_space<semaphore_mem>>) src(%arg5 : memref<100000xf32, #tpu.memory_space<vmem>>) dst(%dma_wait3A_179 : memref<100000xf32, #tpu.memory_space<hbm>>)
    %dma_wait3A_180 = arith.constant 0 : i32
    %dma_wait3A_181 = tpu.memref_slice %arg3[%dma_wait3A_180] : memref<51200000xf32, #tpu.memory_space<hbm>> -> memref<100000xf32, #tpu.memory_space<hbm>>
    %dma_wait3A_182 = arith.constant 0 : i32
    %dma_wait3A_183 = tpu.memref_slice %arg3[%dma_wait3A_182] : memref<51200000xf32, #tpu.memory_space<hbm>> -> memref<100000xf32, #tpu.memory_space<hbm>>
    tpu.wait_dma2 semaphore(%arg8 : memref<!tpu.dma_semaphore, #tpu.memory_space<semaphore_mem>>) src(%arg5 : memref<100000xf32, #tpu.memory_space<vmem>>) dst(%dma_wait3A_183 : memref<100000xf32, #tpu.memory_space<hbm>>)
    %dma_wait3A_184 = arith.constant 0 : i32
    %dma_wait3A_185 = tpu.memref_slice %arg3[%dma_wait3A_184] : memref<51200000xf32, #tpu.memory_space<hbm>> -> memref<100000xf32, #tpu.memory_space<hbm>>
    %dma_wait3A_186 = arith.constant 0 : i32
    %dma_wait3A_187 = tpu.memref_slice %arg3[%dma_wait3A_186] : memref<51200000xf32, #tpu.memory_space<hbm>> -> memref<100000xf32, #tpu.memory_space<hbm>>
    tpu.wait_dma2 semaphore(%arg8 : memref<!tpu.dma_semaphore, #tpu.memory_space<semaphore_mem>>) src(%arg5 : memref<100000xf32, #tpu.memory_space<vmem>>) dst(%dma_wait3A_187 : memref<100000xf32, #tpu.memory_space<hbm>>)
    %dma_wait3A_188 = arith.constant 0 : i32
    %dma_wait3A_189 = tpu.memref_slice %arg3[%dma_wait3A_188] : memref<51200000xf32, #tpu.memory_space<hbm>> -> memref<100000xf32, #tpu.memory_space<hbm>>
    %dma_wait3A_190 = arith.constant 0 : i32
    %dma_wait3A_191 = tpu.memref_slice %arg3[%dma_wait3A_190] : memref<51200000xf32, #tpu.memory_space<hbm>> -> memref<100000xf32, #tpu.memory_space<hbm>>
    tpu.wait_dma2 semaphore(%arg8 : memref<!tpu.dma_semaphore, #tpu.memory_space<semaphore_mem>>) src(%arg5 : memref<100000xf32, #tpu.memory_space<vmem>>) dst(%dma_wait3A_191 : memref<100000xf32, #tpu.memory_space<hbm>>)
    %dma_wait3A_192 = arith.constant 0 : i32
    %dma_wait3A_193 = tpu.memref_slice %arg3[%dma_wait3A_192] : memref<51200000xf32, #tpu.memory_space<hbm>> -> memref<100000xf32, #tpu.memory_space<hbm>>
    %dma_wait3A_194 = arith.constant 0 : i32
    %dma_wait3A_195 = tpu.memref_slice %arg3[%dma_wait3A_194] : memref<51200000xf32, #tpu.memory_space<hbm>> -> memref<100000xf32, #tpu.memory_space<hbm>>
    tpu.wait_dma2 semaphore(%arg8 : memref<!tpu.dma_semaphore, #tpu.memory_space<semaphore_mem>>) src(%arg5 : memref<100000xf32, #tpu.memory_space<vmem>>) dst(%dma_wait3A_195 : memref<100000xf32, #tpu.memory_space<hbm>>)
    %dma_wait3A_196 = arith.constant 0 : i32
    %dma_wait3A_197 = tpu.memref_slice %arg3[%dma_wait3A_196] : memref<51200000xf32, #tpu.memory_space<hbm>> -> memref<100000xf32, #tpu.memory_space<hbm>>
    %dma_wait3A_198 = arith.constant 0 : i32
    %dma_wait3A_199 = tpu.memref_slice %arg3[%dma_wait3A_198] : memref<51200000xf32, #tpu.memory_space<hbm>> -> memref<100000xf32, #tpu.memory_space<hbm>>
    tpu.wait_dma2 semaphore(%arg8 : memref<!tpu.dma_semaphore, #tpu.memory_space<semaphore_mem>>) src(%arg5 : memref<100000xf32, #tpu.memory_space<vmem>>) dst(%dma_wait3A_199 : memref<100000xf32, #tpu.memory_space<hbm>>)
    %dma_wait3A_200 = arith.constant 0 : i32
    %dma_wait3A_201 = tpu.memref_slice %arg3[%dma_wait3A_200] : memref<51200000xf32, #tpu.memory_space<hbm>> -> memref<100000xf32, #tpu.memory_space<hbm>>
    %dma_wait3A_202 = arith.constant 0 : i32
    %dma_wait3A_203 = tpu.memref_slice %arg3[%dma_wait3A_202] : memref<51200000xf32, #tpu.memory_space<hbm>> -> memref<100000xf32, #tpu.memory_space<hbm>>
    tpu.wait_dma2 semaphore(%arg8 : memref<!tpu.dma_semaphore, #tpu.memory_space<semaphore_mem>>) src(%arg5 : memref<100000xf32, #tpu.memory_space<vmem>>) dst(%dma_wait3A_203 : memref<100000xf32, #tpu.memory_space<hbm>>)
    %dma_wait3A_204 = arith.constant 0 : i32
    %dma_wait3A_205 = tpu.memref_slice %arg3[%dma_wait3A_204] : memref<51200000xf32, #tpu.memory_space<hbm>> -> memref<100000xf32, #tpu.memory_space<hbm>>
    %dma_wait3A_206 = arith.constant 0 : i32
    %dma_wait3A_207 = tpu.memref_slice %arg3[%dma_wait3A_206] : memref<51200000xf32, #tpu.memory_space<hbm>> -> memref<100000xf32, #tpu.memory_space<hbm>>
    tpu.wait_dma2 semaphore(%arg8 : memref<!tpu.dma_semaphore, #tpu.memory_space<semaphore_mem>>) src(%arg5 : memref<100000xf32, #tpu.memory_space<vmem>>) dst(%dma_wait3A_207 : memref<100000xf32, #tpu.memory_space<hbm>>)
    %dma_wait3A_208 = arith.constant 0 : i32
    %dma_wait3A_209 = tpu.memref_slice %arg3[%dma_wait3A_208] : memref<51200000xf32, #tpu.memory_space<hbm>> -> memref<100000xf32, #tpu.memory_space<hbm>>
    %dma_wait3A_210 = arith.constant 0 : i32
    %dma_wait3A_211 = tpu.memref_slice %arg3[%dma_wait3A_210] : memref<51200000xf32, #tpu.memory_space<hbm>> -> memref<100000xf32, #tpu.memory_space<hbm>>
    tpu.wait_dma2 semaphore(%arg8 : memref<!tpu.dma_semaphore, #tpu.memory_space<semaphore_mem>>) src(%arg5 : memref<100000xf32, #tpu.memory_space<vmem>>) dst(%dma_wait3A_211 : memref<100000xf32, #tpu.memory_space<hbm>>)
    %dma_start3A_212 = arith.constant 0 : i32
    %dma_start3A_213 = arith.constant 0 : i32
    %dma_start3A_214 = tpu.memref_slice %arg6[%dma_start3A_212, %dma_start3A_213] : memref<25x64xi32, #tpu.memory_space<vmem>> -> memref<1x64xi32, #tpu.memory_space<vmem>>
    %dma_start3A_215 = tpu.memref_squeeze %dma_start3A_214 : memref<1x64xi32, #tpu.memory_space<vmem>> -> memref<64xi32, #tpu.memory_space<vmem>>
    %dma_start3A_216 = arith.constant 0 : i32
    %dma_start3A_217 = tpu.memref_slice %arg3[%dma_start3A_216] : memref<51200000xf32, #tpu.memory_space<hbm>> -> memref<51200000xf32, #tpu.memory_space<hbm>>
    tpu.enqueue_indirect_dma source(%arg7 : memref<64xf32, #tpu.memory_space<vmem>>) target(%dma_start3A_217 : memref<51200000xf32, #tpu.memory_space<hbm>>) offsets(%dma_start3A_215 : memref<64xi32, #tpu.memory_space<vmem>>) semaphore(%arg9 : memref<!tpu.dma_semaphore, #tpu.memory_space<semaphore_mem>>)
    %dma_start3A_218 = arith.constant 1 : i32
    %dma_start3A_219 = arith.constant 0 : i32
    %dma_start3A_220 = tpu.memref_slice %arg6[%dma_start3A_218, %dma_start3A_219] : memref<25x64xi32, #tpu.memory_space<vmem>> -> memref<1x64xi32, #tpu.memory_space<vmem>>
    %dma_start3A_221 = tpu.memref_squeeze %dma_start3A_220 : memref<1x64xi32, #tpu.memory_space<vmem>> -> memref<64xi32, #tpu.memory_space<vmem>>
    %dma_start3A_222 = arith.constant 0 : i32
    %dma_start3A_223 = tpu.memref_slice %arg3[%dma_start3A_222] : memref<51200000xf32, #tpu.memory_space<hbm>> -> memref<51200000xf32, #tpu.memory_space<hbm>>
    tpu.enqueue_indirect_dma source(%arg7 : memref<64xf32, #tpu.memory_space<vmem>>) target(%dma_start3A_223 : memref<51200000xf32, #tpu.memory_space<hbm>>) offsets(%dma_start3A_221 : memref<64xi32, #tpu.memory_space<vmem>>) semaphore(%arg9 : memref<!tpu.dma_semaphore, #tpu.memory_space<semaphore_mem>>)
    %dma_start3A_224 = arith.constant 2 : i32
    %dma_start3A_225 = arith.constant 0 : i32
    %dma_start3A_226 = tpu.memref_slice %arg6[%dma_start3A_224, %dma_start3A_225] : memref<25x64xi32, #tpu.memory_space<vmem>> -> memref<1x64xi32, #tpu.memory_space<vmem>>
    %dma_start3A_227 = tpu.memref_squeeze %dma_start3A_226 : memref<1x64xi32, #tpu.memory_space<vmem>> -> memref<64xi32, #tpu.memory_space<vmem>>
    %dma_start3A_228 = arith.constant 0 : i32
    %dma_start3A_229 = tpu.memref_slice %arg3[%dma_start3A_228] : memref<51200000xf32, #tpu.memory_space<hbm>> -> memref<51200000xf32, #tpu.memory_space<hbm>>
    tpu.enqueue_indirect_dma source(%arg7 : memref<64xf32, #tpu.memory_space<vmem>>) target(%dma_start3A_229 : memref<51200000xf32, #tpu.memory_space<hbm>>) offsets(%dma_start3A_227 : memref<64xi32, #tpu.memory_space<vmem>>) semaphore(%arg9 : memref<!tpu.dma_semaphore, #tpu.memory_space<semaphore_mem>>)
    %dma_start3A_230 = arith.constant 3 : i32
    %dma_start3A_231 = arith.constant 0 : i32
    %dma_start3A_232 = tpu.memref_slice %arg6[%dma_start3A_230, %dma_start3A_231] : memref<25x64xi32, #tpu.memory_space<vmem>> -> memref<1x64xi32, #tpu.memory_space<vmem>>
    %dma_start3A_233 = tpu.memref_squeeze %dma_start3A_232 : memref<1x64xi32, #tpu.memory_space<vmem>> -> memref<64xi32, #tpu.memory_space<vmem>>
    %dma_start3A_234 = arith.constant 0 : i32
    %dma_start3A_235 = tpu.memref_slice %arg3[%dma_start3A_234] : memref<51200000xf32, #tpu.memory_space<hbm>> -> memref<51200000xf32, #tpu.memory_space<hbm>>
    tpu.enqueue_indirect_dma source(%arg7 : memref<64xf32, #tpu.memory_space<vmem>>) target(%dma_start3A_235 : memref<51200000xf32, #tpu.memory_space<hbm>>) offsets(%dma_start3A_233 : memref<64xi32, #tpu.memory_space<vmem>>) semaphore(%arg9 : memref<!tpu.dma_semaphore, #tpu.memory_space<semaphore_mem>>)
    %dma_start3A_236 = arith.constant 4 : i32
    %dma_start3A_237 = arith.constant 0 : i32
    %dma_start3A_238 = tpu.memref_slice %arg6[%dma_start3A_236, %dma_start3A_237] : memref<25x64xi32, #tpu.memory_space<vmem>> -> memref<1x64xi32, #tpu.memory_space<vmem>>
    %dma_start3A_239 = tpu.memref_squeeze %dma_start3A_238 : memref<1x64xi32, #tpu.memory_space<vmem>> -> memref<64xi32, #tpu.memory_space<vmem>>
    %dma_start3A_240 = arith.constant 0 : i32
    %dma_start3A_241 = tpu.memref_slice %arg3[%dma_start3A_240] : memref<51200000xf32, #tpu.memory_space<hbm>> -> memref<51200000xf32, #tpu.memory_space<hbm>>
    tpu.enqueue_indirect_dma source(%arg7 : memref<64xf32, #tpu.memory_space<vmem>>) target(%dma_start3A_241 : memref<51200000xf32, #tpu.memory_space<hbm>>) offsets(%dma_start3A_239 : memref<64xi32, #tpu.memory_space<vmem>>) semaphore(%arg9 : memref<!tpu.dma_semaphore, #tpu.memory_space<semaphore_mem>>)
    %dma_start3A_242 = arith.constant 5 : i32
    %dma_start3A_243 = arith.constant 0 : i32
    %dma_start3A_244 = tpu.memref_slice %arg6[%dma_start3A_242, %dma_start3A_243] : memref<25x64xi32, #tpu.memory_space<vmem>> -> memref<1x64xi32, #tpu.memory_space<vmem>>
    %dma_start3A_245 = tpu.memref_squeeze %dma_start3A_244 : memref<1x64xi32, #tpu.memory_space<vmem>> -> memref<64xi32, #tpu.memory_space<vmem>>
    %dma_start3A_246 = arith.constant 0 : i32
    %dma_start3A_247 = tpu.memref_slice %arg3[%dma_start3A_246] : memref<51200000xf32, #tpu.memory_space<hbm>> -> memref<51200000xf32, #tpu.memory_space<hbm>>
    tpu.enqueue_indirect_dma source(%arg7 : memref<64xf32, #tpu.memory_space<vmem>>) target(%dma_start3A_247 : memref<51200000xf32, #tpu.memory_space<hbm>>) offsets(%dma_start3A_245 : memref<64xi32, #tpu.memory_space<vmem>>) semaphore(%arg9 : memref<!tpu.dma_semaphore, #tpu.memory_space<semaphore_mem>>)
    %dma_start3A_248 = arith.constant 6 : i32
    %dma_start3A_249 = arith.constant 0 : i32
    %dma_start3A_250 = tpu.memref_slice %arg6[%dma_start3A_248, %dma_start3A_249] : memref<25x64xi32, #tpu.memory_space<vmem>> -> memref<1x64xi32, #tpu.memory_space<vmem>>
    %dma_start3A_251 = tpu.memref_squeeze %dma_start3A_250 : memref<1x64xi32, #tpu.memory_space<vmem>> -> memref<64xi32, #tpu.memory_space<vmem>>
    %dma_start3A_252 = arith.constant 0 : i32
    %dma_start3A_253 = tpu.memref_slice %arg3[%dma_start3A_252] : memref<51200000xf32, #tpu.memory_space<hbm>> -> memref<51200000xf32, #tpu.memory_space<hbm>>
    tpu.enqueue_indirect_dma source(%arg7 : memref<64xf32, #tpu.memory_space<vmem>>) target(%dma_start3A_253 : memref<51200000xf32, #tpu.memory_space<hbm>>) offsets(%dma_start3A_251 : memref<64xi32, #tpu.memory_space<vmem>>) semaphore(%arg9 : memref<!tpu.dma_semaphore, #tpu.memory_space<semaphore_mem>>)
    %dma_start3A_254 = arith.constant 7 : i32
    %dma_start3A_255 = arith.constant 0 : i32
    %dma_start3A_256 = tpu.memref_slice %arg6[%dma_start3A_254, %dma_start3A_255] : memref<25x64xi32, #tpu.memory_space<vmem>> -> memref<1x64xi32, #tpu.memory_space<vmem>>
    %dma_start3A_257 = tpu.memref_squeeze %dma_start3A_256 : memref<1x64xi32, #tpu.memory_space<vmem>> -> memref<64xi32, #tpu.memory_space<vmem>>
    %dma_start3A_258 = arith.constant 0 : i32
    %dma_start3A_259 = tpu.memref_slice %arg3[%dma_start3A_258] : memref<51200000xf32, #tpu.memory_space<hbm>> -> memref<51200000xf32, #tpu.memory_space<hbm>>
    tpu.enqueue_indirect_dma source(%arg7 : memref<64xf32, #tpu.memory_space<vmem>>) target(%dma_start3A_259 : memref<51200000xf32, #tpu.memory_space<hbm>>) offsets(%dma_start3A_257 : memref<64xi32, #tpu.memory_space<vmem>>) semaphore(%arg9 : memref<!tpu.dma_semaphore, #tpu.memory_space<semaphore_mem>>)
    %dma_start3A_260 = arith.constant 8 : i32
    %dma_start3A_261 = arith.constant 0 : i32
    %dma_start3A_262 = tpu.memref_slice %arg6[%dma_start3A_260, %dma_start3A_261] : memref<25x64xi32, #tpu.memory_space<vmem>> -> memref<1x64xi32, #tpu.memory_space<vmem>>
    %dma_start3A_263 = tpu.memref_squeeze %dma_start3A_262 : memref<1x64xi32, #tpu.memory_space<vmem>> -> memref<64xi32, #tpu.memory_space<vmem>>
    %dma_start3A_264 = arith.constant 0 : i32
    %dma_start3A_265 = tpu.memref_slice %arg3[%dma_start3A_264] : memref<51200000xf32, #tpu.memory_space<hbm>> -> memref<51200000xf32, #tpu.memory_space<hbm>>
    tpu.enqueue_indirect_dma source(%arg7 : memref<64xf32, #tpu.memory_space<vmem>>) target(%dma_start3A_265 : memref<51200000xf32, #tpu.memory_space<hbm>>) offsets(%dma_start3A_263 : memref<64xi32, #tpu.memory_space<vmem>>) semaphore(%arg9 : memref<!tpu.dma_semaphore, #tpu.memory_space<semaphore_mem>>)
    %dma_start3A_266 = arith.constant 9 : i32
    %dma_start3A_267 = arith.constant 0 : i32
    %dma_start3A_268 = tpu.memref_slice %arg6[%dma_start3A_266, %dma_start3A_267] : memref<25x64xi32, #tpu.memory_space<vmem>> -> memref<1x64xi32, #tpu.memory_space<vmem>>
    %dma_start3A_269 = tpu.memref_squeeze %dma_start3A_268 : memref<1x64xi32, #tpu.memory_space<vmem>> -> memref<64xi32, #tpu.memory_space<vmem>>
    %dma_start3A_270 = arith.constant 0 : i32
    %dma_start3A_271 = tpu.memref_slice %arg3[%dma_start3A_270] : memref<51200000xf32, #tpu.memory_space<hbm>> -> memref<51200000xf32, #tpu.memory_space<hbm>>
    tpu.enqueue_indirect_dma source(%arg7 : memref<64xf32, #tpu.memory_space<vmem>>) target(%dma_start3A_271 : memref<51200000xf32, #tpu.memory_space<hbm>>) offsets(%dma_start3A_269 : memref<64xi32, #tpu.memory_space<vmem>>) semaphore(%arg9 : memref<!tpu.dma_semaphore, #tpu.memory_space<semaphore_mem>>)
    %dma_start3A_272 = arith.constant 10 : i32
    %dma_start3A_273 = arith.constant 0 : i32
    %dma_start3A_274 = tpu.memref_slice %arg6[%dma_start3A_272, %dma_start3A_273] : memref<25x64xi32, #tpu.memory_space<vmem>> -> memref<1x64xi32, #tpu.memory_space<vmem>>
    %dma_start3A_275 = tpu.memref_squeeze %dma_start3A_274 : memref<1x64xi32, #tpu.memory_space<vmem>> -> memref<64xi32, #tpu.memory_space<vmem>>
    %dma_start3A_276 = arith.constant 0 : i32
    %dma_start3A_277 = tpu.memref_slice %arg3[%dma_start3A_276] : memref<51200000xf32, #tpu.memory_space<hbm>> -> memref<51200000xf32, #tpu.memory_space<hbm>>
    tpu.enqueue_indirect_dma source(%arg7 : memref<64xf32, #tpu.memory_space<vmem>>) target(%dma_start3A_277 : memref<51200000xf32, #tpu.memory_space<hbm>>) offsets(%dma_start3A_275 : memref<64xi32, #tpu.memory_space<vmem>>) semaphore(%arg9 : memref<!tpu.dma_semaphore, #tpu.memory_space<semaphore_mem>>)
    %dma_start3A_278 = arith.constant 11 : i32
    %dma_start3A_279 = arith.constant 0 : i32
    %dma_start3A_280 = tpu.memref_slice %arg6[%dma_start3A_278, %dma_start3A_279] : memref<25x64xi32, #tpu.memory_space<vmem>> -> memref<1x64xi32, #tpu.memory_space<vmem>>
    %dma_start3A_281 = tpu.memref_squeeze %dma_start3A_280 : memref<1x64xi32, #tpu.memory_space<vmem>> -> memref<64xi32, #tpu.memory_space<vmem>>
    %dma_start3A_282 = arith.constant 0 : i32
    %dma_start3A_283 = tpu.memref_slice %arg3[%dma_start3A_282] : memref<51200000xf32, #tpu.memory_space<hbm>> -> memref<51200000xf32, #tpu.memory_space<hbm>>
    tpu.enqueue_indirect_dma source(%arg7 : memref<64xf32, #tpu.memory_space<vmem>>) target(%dma_start3A_283 : memref<51200000xf32, #tpu.memory_space<hbm>>) offsets(%dma_start3A_281 : memref<64xi32, #tpu.memory_space<vmem>>) semaphore(%arg9 : memref<!tpu.dma_semaphore, #tpu.memory_space<semaphore_mem>>)
    %dma_start3A_284 = arith.constant 12 : i32
    %dma_start3A_285 = arith.constant 0 : i32
    %dma_start3A_286 = tpu.memref_slice %arg6[%dma_start3A_284, %dma_start3A_285] : memref<25x64xi32, #tpu.memory_space<vmem>> -> memref<1x64xi32, #tpu.memory_space<vmem>>
    %dma_start3A_287 = tpu.memref_squeeze %dma_start3A_286 : memref<1x64xi32, #tpu.memory_space<vmem>> -> memref<64xi32, #tpu.memory_space<vmem>>
    %dma_start3A_288 = arith.constant 0 : i32
    %dma_start3A_289 = tpu.memref_slice %arg3[%dma_start3A_288] : memref<51200000xf32, #tpu.memory_space<hbm>> -> memref<51200000xf32, #tpu.memory_space<hbm>>
    tpu.enqueue_indirect_dma source(%arg7 : memref<64xf32, #tpu.memory_space<vmem>>) target(%dma_start3A_289 : memref<51200000xf32, #tpu.memory_space<hbm>>) offsets(%dma_start3A_287 : memref<64xi32, #tpu.memory_space<vmem>>) semaphore(%arg9 : memref<!tpu.dma_semaphore, #tpu.memory_space<semaphore_mem>>)
    %dma_start3A_290 = arith.constant 13 : i32
    %dma_start3A_291 = arith.constant 0 : i32
    %dma_start3A_292 = tpu.memref_slice %arg6[%dma_start3A_290, %dma_start3A_291] : memref<25x64xi32, #tpu.memory_space<vmem>> -> memref<1x64xi32, #tpu.memory_space<vmem>>
    %dma_start3A_293 = tpu.memref_squeeze %dma_start3A_292 : memref<1x64xi32, #tpu.memory_space<vmem>> -> memref<64xi32, #tpu.memory_space<vmem>>
    %dma_start3A_294 = arith.constant 0 : i32
    %dma_start3A_295 = tpu.memref_slice %arg3[%dma_start3A_294] : memref<51200000xf32, #tpu.memory_space<hbm>> -> memref<51200000xf32, #tpu.memory_space<hbm>>
    tpu.enqueue_indirect_dma source(%arg7 : memref<64xf32, #tpu.memory_space<vmem>>) target(%dma_start3A_295 : memref<51200000xf32, #tpu.memory_space<hbm>>) offsets(%dma_start3A_293 : memref<64xi32, #tpu.memory_space<vmem>>) semaphore(%arg9 : memref<!tpu.dma_semaphore, #tpu.memory_space<semaphore_mem>>)
    %dma_start3A_296 = arith.constant 14 : i32
    %dma_start3A_297 = arith.constant 0 : i32
    %dma_start3A_298 = tpu.memref_slice %arg6[%dma_start3A_296, %dma_start3A_297] : memref<25x64xi32, #tpu.memory_space<vmem>> -> memref<1x64xi32, #tpu.memory_space<vmem>>
    %dma_start3A_299 = tpu.memref_squeeze %dma_start3A_298 : memref<1x64xi32, #tpu.memory_space<vmem>> -> memref<64xi32, #tpu.memory_space<vmem>>
    %dma_start3A_300 = arith.constant 0 : i32
    %dma_start3A_301 = tpu.memref_slice %arg3[%dma_start3A_300] : memref<51200000xf32, #tpu.memory_space<hbm>> -> memref<51200000xf32, #tpu.memory_space<hbm>>
    tpu.enqueue_indirect_dma source(%arg7 : memref<64xf32, #tpu.memory_space<vmem>>) target(%dma_start3A_301 : memref<51200000xf32, #tpu.memory_space<hbm>>) offsets(%dma_start3A_299 : memref<64xi32, #tpu.memory_space<vmem>>) semaphore(%arg9 : memref<!tpu.dma_semaphore, #tpu.memory_space<semaphore_mem>>)
    %dma_start3A_302 = arith.constant 15 : i32
    %dma_start3A_303 = arith.constant 0 : i32
    %dma_start3A_304 = tpu.memref_slice %arg6[%dma_start3A_302, %dma_start3A_303] : memref<25x64xi32, #tpu.memory_space<vmem>> -> memref<1x64xi32, #tpu.memory_space<vmem>>
    %dma_start3A_305 = tpu.memref_squeeze %dma_start3A_304 : memref<1x64xi32, #tpu.memory_space<vmem>> -> memref<64xi32, #tpu.memory_space<vmem>>
    %dma_start3A_306 = arith.constant 0 : i32
    %dma_start3A_307 = tpu.memref_slice %arg3[%dma_start3A_306] : memref<51200000xf32, #tpu.memory_space<hbm>> -> memref<51200000xf32, #tpu.memory_space<hbm>>
    tpu.enqueue_indirect_dma source(%arg7 : memref<64xf32, #tpu.memory_space<vmem>>) target(%dma_start3A_307 : memref<51200000xf32, #tpu.memory_space<hbm>>) offsets(%dma_start3A_305 : memref<64xi32, #tpu.memory_space<vmem>>) semaphore(%arg9 : memref<!tpu.dma_semaphore, #tpu.memory_space<semaphore_mem>>)
    %dma_start3A_308 = arith.constant 16 : i32
    %dma_start3A_309 = arith.constant 0 : i32
    %dma_start3A_310 = tpu.memref_slice %arg6[%dma_start3A_308, %dma_start3A_309] : memref<25x64xi32, #tpu.memory_space<vmem>> -> memref<1x64xi32, #tpu.memory_space<vmem>>
    %dma_start3A_311 = tpu.memref_squeeze %dma_start3A_310 : memref<1x64xi32, #tpu.memory_space<vmem>> -> memref<64xi32, #tpu.memory_space<vmem>>
    %dma_start3A_312 = arith.constant 0 : i32
    %dma_start3A_313 = tpu.memref_slice %arg3[%dma_start3A_312] : memref<51200000xf32, #tpu.memory_space<hbm>> -> memref<51200000xf32, #tpu.memory_space<hbm>>
    tpu.enqueue_indirect_dma source(%arg7 : memref<64xf32, #tpu.memory_space<vmem>>) target(%dma_start3A_313 : memref<51200000xf32, #tpu.memory_space<hbm>>) offsets(%dma_start3A_311 : memref<64xi32, #tpu.memory_space<vmem>>) semaphore(%arg9 : memref<!tpu.dma_semaphore, #tpu.memory_space<semaphore_mem>>)
    %dma_start3A_314 = arith.constant 17 : i32
    %dma_start3A_315 = arith.constant 0 : i32
    %dma_start3A_316 = tpu.memref_slice %arg6[%dma_start3A_314, %dma_start3A_315] : memref<25x64xi32, #tpu.memory_space<vmem>> -> memref<1x64xi32, #tpu.memory_space<vmem>>
    %dma_start3A_317 = tpu.memref_squeeze %dma_start3A_316 : memref<1x64xi32, #tpu.memory_space<vmem>> -> memref<64xi32, #tpu.memory_space<vmem>>
    %dma_start3A_318 = arith.constant 0 : i32
    %dma_start3A_319 = tpu.memref_slice %arg3[%dma_start3A_318] : memref<51200000xf32, #tpu.memory_space<hbm>> -> memref<51200000xf32, #tpu.memory_space<hbm>>
    tpu.enqueue_indirect_dma source(%arg7 : memref<64xf32, #tpu.memory_space<vmem>>) target(%dma_start3A_319 : memref<51200000xf32, #tpu.memory_space<hbm>>) offsets(%dma_start3A_317 : memref<64xi32, #tpu.memory_space<vmem>>) semaphore(%arg9 : memref<!tpu.dma_semaphore, #tpu.memory_space<semaphore_mem>>)
    %dma_start3A_320 = arith.constant 18 : i32
    %dma_start3A_321 = arith.constant 0 : i32
    %dma_start3A_322 = tpu.memref_slice %arg6[%dma_start3A_320, %dma_start3A_321] : memref<25x64xi32, #tpu.memory_space<vmem>> -> memref<1x64xi32, #tpu.memory_space<vmem>>
    %dma_start3A_323 = tpu.memref_squeeze %dma_start3A_322 : memref<1x64xi32, #tpu.memory_space<vmem>> -> memref<64xi32, #tpu.memory_space<vmem>>
    %dma_start3A_324 = arith.constant 0 : i32
    %dma_start3A_325 = tpu.memref_slice %arg3[%dma_start3A_324] : memref<51200000xf32, #tpu.memory_space<hbm>> -> memref<51200000xf32, #tpu.memory_space<hbm>>
    tpu.enqueue_indirect_dma source(%arg7 : memref<64xf32, #tpu.memory_space<vmem>>) target(%dma_start3A_325 : memref<51200000xf32, #tpu.memory_space<hbm>>) offsets(%dma_start3A_323 : memref<64xi32, #tpu.memory_space<vmem>>) semaphore(%arg9 : memref<!tpu.dma_semaphore, #tpu.memory_space<semaphore_mem>>)
    %dma_start3A_326 = arith.constant 19 : i32
    %dma_start3A_327 = arith.constant 0 : i32
    %dma_start3A_328 = tpu.memref_slice %arg6[%dma_start3A_326, %dma_start3A_327] : memref<25x64xi32, #tpu.memory_space<vmem>> -> memref<1x64xi32, #tpu.memory_space<vmem>>
    %dma_start3A_329 = tpu.memref_squeeze %dma_start3A_328 : memref<1x64xi32, #tpu.memory_space<vmem>> -> memref<64xi32, #tpu.memory_space<vmem>>
    %dma_start3A_330 = arith.constant 0 : i32
    %dma_start3A_331 = tpu.memref_slice %arg3[%dma_start3A_330] : memref<51200000xf32, #tpu.memory_space<hbm>> -> memref<51200000xf32, #tpu.memory_space<hbm>>
    tpu.enqueue_indirect_dma source(%arg7 : memref<64xf32, #tpu.memory_space<vmem>>) target(%dma_start3A_331 : memref<51200000xf32, #tpu.memory_space<hbm>>) offsets(%dma_start3A_329 : memref<64xi32, #tpu.memory_space<vmem>>) semaphore(%arg9 : memref<!tpu.dma_semaphore, #tpu.memory_space<semaphore_mem>>)
    %dma_start3A_332 = arith.constant 20 : i32
    %dma_start3A_333 = arith.constant 0 : i32
    %dma_start3A_334 = tpu.memref_slice %arg6[%dma_start3A_332, %dma_start3A_333] : memref<25x64xi32, #tpu.memory_space<vmem>> -> memref<1x64xi32, #tpu.memory_space<vmem>>
    %dma_start3A_335 = tpu.memref_squeeze %dma_start3A_334 : memref<1x64xi32, #tpu.memory_space<vmem>> -> memref<64xi32, #tpu.memory_space<vmem>>
    %dma_start3A_336 = arith.constant 0 : i32
    %dma_start3A_337 = tpu.memref_slice %arg3[%dma_start3A_336] : memref<51200000xf32, #tpu.memory_space<hbm>> -> memref<51200000xf32, #tpu.memory_space<hbm>>
    tpu.enqueue_indirect_dma source(%arg7 : memref<64xf32, #tpu.memory_space<vmem>>) target(%dma_start3A_337 : memref<51200000xf32, #tpu.memory_space<hbm>>) offsets(%dma_start3A_335 : memref<64xi32, #tpu.memory_space<vmem>>) semaphore(%arg9 : memref<!tpu.dma_semaphore, #tpu.memory_space<semaphore_mem>>)
    %dma_start3A_338 = arith.constant 21 : i32
    %dma_start3A_339 = arith.constant 0 : i32
    %dma_start3A_340 = tpu.memref_slice %arg6[%dma_start3A_338, %dma_start3A_339] : memref<25x64xi32, #tpu.memory_space<vmem>> -> memref<1x64xi32, #tpu.memory_space<vmem>>
    %dma_start3A_341 = tpu.memref_squeeze %dma_start3A_340 : memref<1x64xi32, #tpu.memory_space<vmem>> -> memref<64xi32, #tpu.memory_space<vmem>>
    %dma_start3A_342 = arith.constant 0 : i32
    %dma_start3A_343 = tpu.memref_slice %arg3[%dma_start3A_342] : memref<51200000xf32, #tpu.memory_space<hbm>> -> memref<51200000xf32, #tpu.memory_space<hbm>>
    tpu.enqueue_indirect_dma source(%arg7 : memref<64xf32, #tpu.memory_space<vmem>>) target(%dma_start3A_343 : memref<51200000xf32, #tpu.memory_space<hbm>>) offsets(%dma_start3A_341 : memref<64xi32, #tpu.memory_space<vmem>>) semaphore(%arg9 : memref<!tpu.dma_semaphore, #tpu.memory_space<semaphore_mem>>)
    %dma_start3A_344 = arith.constant 22 : i32
    %dma_start3A_345 = arith.constant 0 : i32
    %dma_start3A_346 = tpu.memref_slice %arg6[%dma_start3A_344, %dma_start3A_345] : memref<25x64xi32, #tpu.memory_space<vmem>> -> memref<1x64xi32, #tpu.memory_space<vmem>>
    %dma_start3A_347 = tpu.memref_squeeze %dma_start3A_346 : memref<1x64xi32, #tpu.memory_space<vmem>> -> memref<64xi32, #tpu.memory_space<vmem>>
    %dma_start3A_348 = arith.constant 0 : i32
    %dma_start3A_349 = tpu.memref_slice %arg3[%dma_start3A_348] : memref<51200000xf32, #tpu.memory_space<hbm>> -> memref<51200000xf32, #tpu.memory_space<hbm>>
    tpu.enqueue_indirect_dma source(%arg7 : memref<64xf32, #tpu.memory_space<vmem>>) target(%dma_start3A_349 : memref<51200000xf32, #tpu.memory_space<hbm>>) offsets(%dma_start3A_347 : memref<64xi32, #tpu.memory_space<vmem>>) semaphore(%arg9 : memref<!tpu.dma_semaphore, #tpu.memory_space<semaphore_mem>>)
    %dma_start3A_350 = arith.constant 23 : i32
    %dma_start3A_351 = arith.constant 0 : i32
    %dma_start3A_352 = tpu.memref_slice %arg6[%dma_start3A_350, %dma_start3A_351] : memref<25x64xi32, #tpu.memory_space<vmem>> -> memref<1x64xi32, #tpu.memory_space<vmem>>
    %dma_start3A_353 = tpu.memref_squeeze %dma_start3A_352 : memref<1x64xi32, #tpu.memory_space<vmem>> -> memref<64xi32, #tpu.memory_space<vmem>>
    %dma_start3A_354 = arith.constant 0 : i32
    %dma_start3A_355 = tpu.memref_slice %arg3[%dma_start3A_354] : memref<51200000xf32, #tpu.memory_space<hbm>> -> memref<51200000xf32, #tpu.memory_space<hbm>>
    tpu.enqueue_indirect_dma source(%arg7 : memref<64xf32, #tpu.memory_space<vmem>>) target(%dma_start3A_355 : memref<51200000xf32, #tpu.memory_space<hbm>>) offsets(%dma_start3A_353 : memref<64xi32, #tpu.memory_space<vmem>>) semaphore(%arg9 : memref<!tpu.dma_semaphore, #tpu.memory_space<semaphore_mem>>)
    %dma_start3A_356 = arith.constant 24 : i32
    %dma_start3A_357 = arith.constant 0 : i32
    %dma_start3A_358 = tpu.memref_slice %arg6[%dma_start3A_356, %dma_start3A_357] : memref<25x64xi32, #tpu.memory_space<vmem>> -> memref<1x64xi32, #tpu.memory_space<vmem>>
    %dma_start3A_359 = tpu.memref_squeeze %dma_start3A_358 : memref<1x64xi32, #tpu.memory_space<vmem>> -> memref<64xi32, #tpu.memory_space<vmem>>
    %dma_start3A_360 = arith.constant 0 : i32
    %dma_start3A_361 = tpu.memref_slice %arg3[%dma_start3A_360] : memref<51200000xf32, #tpu.memory_space<hbm>> -> memref<51200000xf32, #tpu.memory_space<hbm>>
    tpu.enqueue_indirect_dma source(%arg7 : memref<64xf32, #tpu.memory_space<vmem>>) target(%dma_start3A_361 : memref<51200000xf32, #tpu.memory_space<hbm>>) offsets(%dma_start3A_359 : memref<64xi32, #tpu.memory_space<vmem>>) semaphore(%arg9 : memref<!tpu.dma_semaphore, #tpu.memory_space<semaphore_mem>>)
    %dma_wait3A_362 = arith.constant 0 : i32
    %dma_wait3A_363 = arith.constant 0 : i32
    %dma_wait3A_364 = tpu.memref_slice %arg6[%dma_wait3A_362, %dma_wait3A_363] : memref<25x64xi32, #tpu.memory_space<vmem>> -> memref<1x64xi32, #tpu.memory_space<vmem>>
    %dma_wait3A_365 = tpu.memref_squeeze %dma_wait3A_364 : memref<1x64xi32, #tpu.memory_space<vmem>> -> memref<64xi32, #tpu.memory_space<vmem>>
    %dma_wait3A_366 = arith.constant 0 : i32
    %dma_wait3A_367 = tpu.memref_slice %arg3[%dma_wait3A_366] : memref<51200000xf32, #tpu.memory_space<hbm>> -> memref<51200000xf32, #tpu.memory_space<hbm>>
    tpu.wait_indirect_dma semaphore(%arg9 : memref<!tpu.dma_semaphore, #tpu.memory_space<semaphore_mem>>) src(%arg7 : memref<64xf32, #tpu.memory_space<vmem>>) dst(%dma_wait3A_367 : memref<51200000xf32, #tpu.memory_space<hbm>>)
    %dma_wait3A_368 = arith.constant 0 : i32
    %dma_wait3A_369 = arith.constant 0 : i32
    %dma_wait3A_370 = tpu.memref_slice %arg6[%dma_wait3A_368, %dma_wait3A_369] : memref<25x64xi32, #tpu.memory_space<vmem>> -> memref<1x64xi32, #tpu.memory_space<vmem>>
    %dma_wait3A_371 = tpu.memref_squeeze %dma_wait3A_370 : memref<1x64xi32, #tpu.memory_space<vmem>> -> memref<64xi32, #tpu.memory_space<vmem>>
    %dma_wait3A_372 = arith.constant 0 : i32
    %dma_wait3A_373 = tpu.memref_slice %arg3[%dma_wait3A_372] : memref<51200000xf32, #tpu.memory_space<hbm>> -> memref<51200000xf32, #tpu.memory_space<hbm>>
    tpu.wait_indirect_dma semaphore(%arg9 : memref<!tpu.dma_semaphore, #tpu.memory_space<semaphore_mem>>) src(%arg7 : memref<64xf32, #tpu.memory_space<vmem>>) dst(%dma_wait3A_373 : memref<51200000xf32, #tpu.memory_space<hbm>>)
    %dma_wait3A_374 = arith.constant 0 : i32
    %dma_wait3A_375 = arith.constant 0 : i32
    %dma_wait3A_376 = tpu.memref_slice %arg6[%dma_wait3A_374, %dma_wait3A_375] : memref<25x64xi32, #tpu.memory_space<vmem>> -> memref<1x64xi32, #tpu.memory_space<vmem>>
    %dma_wait3A_377 = tpu.memref_squeeze %dma_wait3A_376 : memref<1x64xi32, #tpu.memory_space<vmem>> -> memref<64xi32, #tpu.memory_space<vmem>>
    %dma_wait3A_378 = arith.constant 0 : i32
    %dma_wait3A_379 = tpu.memref_slice %arg3[%dma_wait3A_378] : memref<51200000xf32, #tpu.memory_space<hbm>> -> memref<51200000xf32, #tpu.memory_space<hbm>>
    tpu.wait_indirect_dma semaphore(%arg9 : memref<!tpu.dma_semaphore, #tpu.memory_space<semaphore_mem>>) src(%arg7 : memref<64xf32, #tpu.memory_space<vmem>>) dst(%dma_wait3A_379 : memref<51200000xf32, #tpu.memory_space<hbm>>)
    %dma_wait3A_380 = arith.constant 0 : i32
    %dma_wait3A_381 = arith.constant 0 : i32
    %dma_wait3A_382 = tpu.memref_slice %arg6[%dma_wait3A_380, %dma_wait3A_381] : memref<25x64xi32, #tpu.memory_space<vmem>> -> memref<1x64xi32, #tpu.memory_space<vmem>>
    %dma_wait3A_383 = tpu.memref_squeeze %dma_wait3A_382 : memref<1x64xi32, #tpu.memory_space<vmem>> -> memref<64xi32, #tpu.memory_space<vmem>>
    %dma_wait3A_384 = arith.constant 0 : i32
    %dma_wait3A_385 = tpu.memref_slice %arg3[%dma_wait3A_384] : memref<51200000xf32, #tpu.memory_space<hbm>> -> memref<51200000xf32, #tpu.memory_space<hbm>>
    tpu.wait_indirect_dma semaphore(%arg9 : memref<!tpu.dma_semaphore, #tpu.memory_space<semaphore_mem>>) src(%arg7 : memref<64xf32, #tpu.memory_space<vmem>>) dst(%dma_wait3A_385 : memref<51200000xf32, #tpu.memory_space<hbm>>)
    %dma_wait3A_386 = arith.constant 0 : i32
    %dma_wait3A_387 = arith.constant 0 : i32
    %dma_wait3A_388 = tpu.memref_slice %arg6[%dma_wait3A_386, %dma_wait3A_387] : memref<25x64xi32, #tpu.memory_space<vmem>> -> memref<1x64xi32, #tpu.memory_space<vmem>>
    %dma_wait3A_389 = tpu.memref_squeeze %dma_wait3A_388 : memref<1x64xi32, #tpu.memory_space<vmem>> -> memref<64xi32, #tpu.memory_space<vmem>>
    %dma_wait3A_390 = arith.constant 0 : i32
    %dma_wait3A_391 = tpu.memref_slice %arg3[%dma_wait3A_390] : memref<51200000xf32, #tpu.memory_space<hbm>> -> memref<51200000xf32, #tpu.memory_space<hbm>>
    tpu.wait_indirect_dma semaphore(%arg9 : memref<!tpu.dma_semaphore, #tpu.memory_space<semaphore_mem>>) src(%arg7 : memref<64xf32, #tpu.memory_space<vmem>>) dst(%dma_wait3A_391 : memref<51200000xf32, #tpu.memory_space<hbm>>)
    %dma_wait3A_392 = arith.constant 0 : i32
    %dma_wait3A_393 = arith.constant 0 : i32
    %dma_wait3A_394 = tpu.memref_slice %arg6[%dma_wait3A_392, %dma_wait3A_393] : memref<25x64xi32, #tpu.memory_space<vmem>> -> memref<1x64xi32, #tpu.memory_space<vmem>>
    %dma_wait3A_395 = tpu.memref_squeeze %dma_wait3A_394 : memref<1x64xi32, #tpu.memory_space<vmem>> -> memref<64xi32, #tpu.memory_space<vmem>>
    %dma_wait3A_396 = arith.constant 0 : i32
    %dma_wait3A_397 = tpu.memref_slice %arg3[%dma_wait3A_396] : memref<51200000xf32, #tpu.memory_space<hbm>> -> memref<51200000xf32, #tpu.memory_space<hbm>>
    tpu.wait_indirect_dma semaphore(%arg9 : memref<!tpu.dma_semaphore, #tpu.memory_space<semaphore_mem>>) src(%arg7 : memref<64xf32, #tpu.memory_space<vmem>>) dst(%dma_wait3A_397 : memref<51200000xf32, #tpu.memory_space<hbm>>)
    %dma_wait3A_398 = arith.constant 0 : i32
    %dma_wait3A_399 = arith.constant 0 : i32
    %dma_wait3A_400 = tpu.memref_slice %arg6[%dma_wait3A_398, %dma_wait3A_399] : memref<25x64xi32, #tpu.memory_space<vmem>> -> memref<1x64xi32, #tpu.memory_space<vmem>>
    %dma_wait3A_401 = tpu.memref_squeeze %dma_wait3A_400 : memref<1x64xi32, #tpu.memory_space<vmem>> -> memref<64xi32, #tpu.memory_space<vmem>>
    %dma_wait3A_402 = arith.constant 0 : i32
    %dma_wait3A_403 = tpu.memref_slice %arg3[%dma_wait3A_402] : memref<51200000xf32, #tpu.memory_space<hbm>> -> memref<51200000xf32, #tpu.memory_space<hbm>>
    tpu.wait_indirect_dma semaphore(%arg9 : memref<!tpu.dma_semaphore, #tpu.memory_space<semaphore_mem>>) src(%arg7 : memref<64xf32, #tpu.memory_space<vmem>>) dst(%dma_wait3A_403 : memref<51200000xf32, #tpu.memory_space<hbm>>)
    %dma_wait3A_404 = arith.constant 0 : i32
    %dma_wait3A_405 = arith.constant 0 : i32
    %dma_wait3A_406 = tpu.memref_slice %arg6[%dma_wait3A_404, %dma_wait3A_405] : memref<25x64xi32, #tpu.memory_space<vmem>> -> memref<1x64xi32, #tpu.memory_space<vmem>>
    %dma_wait3A_407 = tpu.memref_squeeze %dma_wait3A_406 : memref<1x64xi32, #tpu.memory_space<vmem>> -> memref<64xi32, #tpu.memory_space<vmem>>
    %dma_wait3A_408 = arith.constant 0 : i32
    %dma_wait3A_409 = tpu.memref_slice %arg3[%dma_wait3A_408] : memref<51200000xf32, #tpu.memory_space<hbm>> -> memref<51200000xf32, #tpu.memory_space<hbm>>
    tpu.wait_indirect_dma semaphore(%arg9 : memref<!tpu.dma_semaphore, #tpu.memory_space<semaphore_mem>>) src(%arg7 : memref<64xf32, #tpu.memory_space<vmem>>) dst(%dma_wait3A_409 : memref<51200000xf32, #tpu.memory_space<hbm>>)
    %dma_wait3A_410 = arith.constant 0 : i32
    %dma_wait3A_411 = arith.constant 0 : i32
    %dma_wait3A_412 = tpu.memref_slice %arg6[%dma_wait3A_410, %dma_wait3A_411] : memref<25x64xi32, #tpu.memory_space<vmem>> -> memref<1x64xi32, #tpu.memory_space<vmem>>
    %dma_wait3A_413 = tpu.memref_squeeze %dma_wait3A_412 : memref<1x64xi32, #tpu.memory_space<vmem>> -> memref<64xi32, #tpu.memory_space<vmem>>
    %dma_wait3A_414 = arith.constant 0 : i32
    %dma_wait3A_415 = tpu.memref_slice %arg3[%dma_wait3A_414] : memref<51200000xf32, #tpu.memory_space<hbm>> -> memref<51200000xf32, #tpu.memory_space<hbm>>
    tpu.wait_indirect_dma semaphore(%arg9 : memref<!tpu.dma_semaphore, #tpu.memory_space<semaphore_mem>>) src(%arg7 : memref<64xf32, #tpu.memory_space<vmem>>) dst(%dma_wait3A_415 : memref<51200000xf32, #tpu.memory_space<hbm>>)
    %dma_wait3A_416 = arith.constant 0 : i32
    %dma_wait3A_417 = arith.constant 0 : i32
    %dma_wait3A_418 = tpu.memref_slice %arg6[%dma_wait3A_416, %dma_wait3A_417] : memref<25x64xi32, #tpu.memory_space<vmem>> -> memref<1x64xi32, #tpu.memory_space<vmem>>
    %dma_wait3A_419 = tpu.memref_squeeze %dma_wait3A_418 : memref<1x64xi32, #tpu.memory_space<vmem>> -> memref<64xi32, #tpu.memory_space<vmem>>
    %dma_wait3A_420 = arith.constant 0 : i32
    %dma_wait3A_421 = tpu.memref_slice %arg3[%dma_wait3A_420] : memref<51200000xf32, #tpu.memory_space<hbm>> -> memref<51200000xf32, #tpu.memory_space<hbm>>
    tpu.wait_indirect_dma semaphore(%arg9 : memref<!tpu.dma_semaphore, #tpu.memory_space<semaphore_mem>>) src(%arg7 : memref<64xf32, #tpu.memory_space<vmem>>) dst(%dma_wait3A_421 : memref<51200000xf32, #tpu.memory_space<hbm>>)
    %dma_wait3A_422 = arith.constant 0 : i32
    %dma_wait3A_423 = arith.constant 0 : i32
    %dma_wait3A_424 = tpu.memref_slice %arg6[%dma_wait3A_422, %dma_wait3A_423] : memref<25x64xi32, #tpu.memory_space<vmem>> -> memref<1x64xi32, #tpu.memory_space<vmem>>
    %dma_wait3A_425 = tpu.memref_squeeze %dma_wait3A_424 : memref<1x64xi32, #tpu.memory_space<vmem>> -> memref<64xi32, #tpu.memory_space<vmem>>
    %dma_wait3A_426 = arith.constant 0 : i32
    %dma_wait3A_427 = tpu.memref_slice %arg3[%dma_wait3A_426] : memref<51200000xf32, #tpu.memory_space<hbm>> -> memref<51200000xf32, #tpu.memory_space<hbm>>
    tpu.wait_indirect_dma semaphore(%arg9 : memref<!tpu.dma_semaphore, #tpu.memory_space<semaphore_mem>>) src(%arg7 : memref<64xf32, #tpu.memory_space<vmem>>) dst(%dma_wait3A_427 : memref<51200000xf32, #tpu.memory_space<hbm>>)
    %dma_wait3A_428 = arith.constant 0 : i32
    %dma_wait3A_429 = arith.constant 0 : i32
    %dma_wait3A_430 = tpu.memref_slice %arg6[%dma_wait3A_428, %dma_wait3A_429] : memref<25x64xi32, #tpu.memory_space<vmem>> -> memref<1x64xi32, #tpu.memory_space<vmem>>
    %dma_wait3A_431 = tpu.memref_squeeze %dma_wait3A_430 : memref<1x64xi32, #tpu.memory_space<vmem>> -> memref<64xi32, #tpu.memory_space<vmem>>
    %dma_wait3A_432 = arith.constant 0 : i32
    %dma_wait3A_433 = tpu.memref_slice %arg3[%dma_wait3A_432] : memref<51200000xf32, #tpu.memory_space<hbm>> -> memref<51200000xf32, #tpu.memory_space<hbm>>
    tpu.wait_indirect_dma semaphore(%arg9 : memref<!tpu.dma_semaphore, #tpu.memory_space<semaphore_mem>>) src(%arg7 : memref<64xf32, #tpu.memory_space<vmem>>) dst(%dma_wait3A_433 : memref<51200000xf32, #tpu.memory_space<hbm>>)
    %dma_wait3A_434 = arith.constant 0 : i32
    %dma_wait3A_435 = arith.constant 0 : i32
    %dma_wait3A_436 = tpu.memref_slice %arg6[%dma_wait3A_434, %dma_wait3A_435] : memref<25x64xi32, #tpu.memory_space<vmem>> -> memref<1x64xi32, #tpu.memory_space<vmem>>
    %dma_wait3A_437 = tpu.memref_squeeze %dma_wait3A_436 : memref<1x64xi32, #tpu.memory_space<vmem>> -> memref<64xi32, #tpu.memory_space<vmem>>
    %dma_wait3A_438 = arith.constant 0 : i32
    %dma_wait3A_439 = tpu.memref_slice %arg3[%dma_wait3A_438] : memref<51200000xf32, #tpu.memory_space<hbm>> -> memref<51200000xf32, #tpu.memory_space<hbm>>
    tpu.wait_indirect_dma semaphore(%arg9 : memref<!tpu.dma_semaphore, #tpu.memory_space<semaphore_mem>>) src(%arg7 : memref<64xf32, #tpu.memory_space<vmem>>) dst(%dma_wait3A_439 : memref<51200000xf32, #tpu.memory_space<hbm>>)
    %dma_wait3A_440 = arith.constant 0 : i32
    %dma_wait3A_441 = arith.constant 0 : i32
    %dma_wait3A_442 = tpu.memref_slice %arg6[%dma_wait3A_440, %dma_wait3A_441] : memref<25x64xi32, #tpu.memory_space<vmem>> -> memref<1x64xi32, #tpu.memory_space<vmem>>
    %dma_wait3A_443 = tpu.memref_squeeze %dma_wait3A_442 : memref<1x64xi32, #tpu.memory_space<vmem>> -> memref<64xi32, #tpu.memory_space<vmem>>
    %dma_wait3A_444 = arith.constant 0 : i32
    %dma_wait3A_445 = tpu.memref_slice %arg3[%dma_wait3A_444] : memref<51200000xf32, #tpu.memory_space<hbm>> -> memref<51200000xf32, #tpu.memory_space<hbm>>
    tpu.wait_indirect_dma semaphore(%arg9 : memref<!tpu.dma_semaphore, #tpu.memory_space<semaphore_mem>>) src(%arg7 : memref<64xf32, #tpu.memory_space<vmem>>) dst(%dma_wait3A_445 : memref<51200000xf32, #tpu.memory_space<hbm>>)
    %dma_wait3A_446 = arith.constant 0 : i32
    %dma_wait3A_447 = arith.constant 0 : i32
    %dma_wait3A_448 = tpu.memref_slice %arg6[%dma_wait3A_446, %dma_wait3A_447] : memref<25x64xi32, #tpu.memory_space<vmem>> -> memref<1x64xi32, #tpu.memory_space<vmem>>
    %dma_wait3A_449 = tpu.memref_squeeze %dma_wait3A_448 : memref<1x64xi32, #tpu.memory_space<vmem>> -> memref<64xi32, #tpu.memory_space<vmem>>
    %dma_wait3A_450 = arith.constant 0 : i32
    %dma_wait3A_451 = tpu.memref_slice %arg3[%dma_wait3A_450] : memref<51200000xf32, #tpu.memory_space<hbm>> -> memref<51200000xf32, #tpu.memory_space<hbm>>
    tpu.wait_indirect_dma semaphore(%arg9 : memref<!tpu.dma_semaphore, #tpu.memory_space<semaphore_mem>>) src(%arg7 : memref<64xf32, #tpu.memory_space<vmem>>) dst(%dma_wait3A_451 : memref<51200000xf32, #tpu.memory_space<hbm>>)
    %dma_wait3A_452 = arith.constant 0 : i32
    %dma_wait3A_453 = arith.constant 0 : i32
    %dma_wait3A_454 = tpu.memref_slice %arg6[%dma_wait3A_452, %dma_wait3A_453] : memref<25x64xi32, #tpu.memory_space<vmem>> -> memref<1x64xi32, #tpu.memory_space<vmem>>
    %dma_wait3A_455 = tpu.memref_squeeze %dma_wait3A_454 : memref<1x64xi32, #tpu.memory_space<vmem>> -> memref<64xi32, #tpu.memory_space<vmem>>
    %dma_wait3A_456 = arith.constant 0 : i32
    %dma_wait3A_457 = tpu.memref_slice %arg3[%dma_wait3A_456] : memref<51200000xf32, #tpu.memory_space<hbm>> -> memref<51200000xf32, #tpu.memory_space<hbm>>
    tpu.wait_indirect_dma semaphore(%arg9 : memref<!tpu.dma_semaphore, #tpu.memory_space<semaphore_mem>>) src(%arg7 : memref<64xf32, #tpu.memory_space<vmem>>) dst(%dma_wait3A_457 : memref<51200000xf32, #tpu.memory_space<hbm>>)
    %dma_wait3A_458 = arith.constant 0 : i32
    %dma_wait3A_459 = arith.constant 0 : i32
    %dma_wait3A_460 = tpu.memref_slice %arg6[%dma_wait3A_458, %dma_wait3A_459] : memref<25x64xi32, #tpu.memory_space<vmem>> -> memref<1x64xi32, #tpu.memory_space<vmem>>
    %dma_wait3A_461 = tpu.memref_squeeze %dma_wait3A_460 : memref<1x64xi32, #tpu.memory_space<vmem>> -> memref<64xi32, #tpu.memory_space<vmem>>
    %dma_wait3A_462 = arith.constant 0 : i32
    %dma_wait3A_463 = tpu.memref_slice %arg3[%dma_wait3A_462] : memref<51200000xf32, #tpu.memory_space<hbm>> -> memref<51200000xf32, #tpu.memory_space<hbm>>
    tpu.wait_indirect_dma semaphore(%arg9 : memref<!tpu.dma_semaphore, #tpu.memory_space<semaphore_mem>>) src(%arg7 : memref<64xf32, #tpu.memory_space<vmem>>) dst(%dma_wait3A_463 : memref<51200000xf32, #tpu.memory_space<hbm>>)
    %dma_wait3A_464 = arith.constant 0 : i32
    %dma_wait3A_465 = arith.constant 0 : i32
    %dma_wait3A_466 = tpu.memref_slice %arg6[%dma_wait3A_464, %dma_wait3A_465] : memref<25x64xi32, #tpu.memory_space<vmem>> -> memref<1x64xi32, #tpu.memory_space<vmem>>
    %dma_wait3A_467 = tpu.memref_squeeze %dma_wait3A_466 : memref<1x64xi32, #tpu.memory_space<vmem>> -> memref<64xi32, #tpu.memory_space<vmem>>
    %dma_wait3A_468 = arith.constant 0 : i32
    %dma_wait3A_469 = tpu.memref_slice %arg3[%dma_wait3A_468] : memref<51200000xf32, #tpu.memory_space<hbm>> -> memref<51200000xf32, #tpu.memory_space<hbm>>
    tpu.wait_indirect_dma semaphore(%arg9 : memref<!tpu.dma_semaphore, #tpu.memory_space<semaphore_mem>>) src(%arg7 : memref<64xf32, #tpu.memory_space<vmem>>) dst(%dma_wait3A_469 : memref<51200000xf32, #tpu.memory_space<hbm>>)
    %dma_wait3A_470 = arith.constant 0 : i32
    %dma_wait3A_471 = arith.constant 0 : i32
    %dma_wait3A_472 = tpu.memref_slice %arg6[%dma_wait3A_470, %dma_wait3A_471] : memref<25x64xi32, #tpu.memory_space<vmem>> -> memref<1x64xi32, #tpu.memory_space<vmem>>
    %dma_wait3A_473 = tpu.memref_squeeze %dma_wait3A_472 : memref<1x64xi32, #tpu.memory_space<vmem>> -> memref<64xi32, #tpu.memory_space<vmem>>
    %dma_wait3A_474 = arith.constant 0 : i32
    %dma_wait3A_475 = tpu.memref_slice %arg3[%dma_wait3A_474] : memref<51200000xf32, #tpu.memory_space<hbm>> -> memref<51200000xf32, #tpu.memory_space<hbm>>
    tpu.wait_indirect_dma semaphore(%arg9 : memref<!tpu.dma_semaphore, #tpu.memory_space<semaphore_mem>>) src(%arg7 : memref<64xf32, #tpu.memory_space<vmem>>) dst(%dma_wait3A_475 : memref<51200000xf32, #tpu.memory_space<hbm>>)
    %dma_wait3A_476 = arith.constant 0 : i32
    %dma_wait3A_477 = arith.constant 0 : i32
    %dma_wait3A_478 = tpu.memref_slice %arg6[%dma_wait3A_476, %dma_wait3A_477] : memref<25x64xi32, #tpu.memory_space<vmem>> -> memref<1x64xi32, #tpu.memory_space<vmem>>
    %dma_wait3A_479 = tpu.memref_squeeze %dma_wait3A_478 : memref<1x64xi32, #tpu.memory_space<vmem>> -> memref<64xi32, #tpu.memory_space<vmem>>
    %dma_wait3A_480 = arith.constant 0 : i32
    %dma_wait3A_481 = tpu.memref_slice %arg3[%dma_wait3A_480] : memref<51200000xf32, #tpu.memory_space<hbm>> -> memref<51200000xf32, #tpu.memory_space<hbm>>
    tpu.wait_indirect_dma semaphore(%arg9 : memref<!tpu.dma_semaphore, #tpu.memory_space<semaphore_mem>>) src(%arg7 : memref<64xf32, #tpu.memory_space<vmem>>) dst(%dma_wait3A_481 : memref<51200000xf32, #tpu.memory_space<hbm>>)
    %dma_wait3A_482 = arith.constant 0 : i32
    %dma_wait3A_483 = arith.constant 0 : i32
    %dma_wait3A_484 = tpu.memref_slice %arg6[%dma_wait3A_482, %dma_wait3A_483] : memref<25x64xi32, #tpu.memory_space<vmem>> -> memref<1x64xi32, #tpu.memory_space<vmem>>
    %dma_wait3A_485 = tpu.memref_squeeze %dma_wait3A_484 : memref<1x64xi32, #tpu.memory_space<vmem>> -> memref<64xi32, #tpu.memory_space<vmem>>
    %dma_wait3A_486 = arith.constant 0 : i32
    %dma_wait3A_487 = tpu.memref_slice %arg3[%dma_wait3A_486] : memref<51200000xf32, #tpu.memory_space<hbm>> -> memref<51200000xf32, #tpu.memory_space<hbm>>
    tpu.wait_indirect_dma semaphore(%arg9 : memref<!tpu.dma_semaphore, #tpu.memory_space<semaphore_mem>>) src(%arg7 : memref<64xf32, #tpu.memory_space<vmem>>) dst(%dma_wait3A_487 : memref<51200000xf32, #tpu.memory_space<hbm>>)
    %dma_wait3A_488 = arith.constant 0 : i32
    %dma_wait3A_489 = arith.constant 0 : i32
    %dma_wait3A_490 = tpu.memref_slice %arg6[%dma_wait3A_488, %dma_wait3A_489] : memref<25x64xi32, #tpu.memory_space<vmem>> -> memref<1x64xi32, #tpu.memory_space<vmem>>
    %dma_wait3A_491 = tpu.memref_squeeze %dma_wait3A_490 : memref<1x64xi32, #tpu.memory_space<vmem>> -> memref<64xi32, #tpu.memory_space<vmem>>
    %dma_wait3A_492 = arith.constant 0 : i32
    %dma_wait3A_493 = tpu.memref_slice %arg3[%dma_wait3A_492] : memref<51200000xf32, #tpu.memory_space<hbm>> -> memref<51200000xf32, #tpu.memory_space<hbm>>
    tpu.wait_indirect_dma semaphore(%arg9 : memref<!tpu.dma_semaphore, #tpu.memory_space<semaphore_mem>>) src(%arg7 : memref<64xf32, #tpu.memory_space<vmem>>) dst(%dma_wait3A_493 : memref<51200000xf32, #tpu.memory_space<hbm>>)
    %dma_wait3A_494 = arith.constant 0 : i32
    %dma_wait3A_495 = arith.constant 0 : i32
    %dma_wait3A_496 = tpu.memref_slice %arg6[%dma_wait3A_494, %dma_wait3A_495] : memref<25x64xi32, #tpu.memory_space<vmem>> -> memref<1x64xi32, #tpu.memory_space<vmem>>
    %dma_wait3A_497 = tpu.memref_squeeze %dma_wait3A_496 : memref<1x64xi32, #tpu.memory_space<vmem>> -> memref<64xi32, #tpu.memory_space<vmem>>
    %dma_wait3A_498 = arith.constant 0 : i32
    %dma_wait3A_499 = tpu.memref_slice %arg3[%dma_wait3A_498] : memref<51200000xf32, #tpu.memory_space<hbm>> -> memref<51200000xf32, #tpu.memory_space<hbm>>
    tpu.wait_indirect_dma semaphore(%arg9 : memref<!tpu.dma_semaphore, #tpu.memory_space<semaphore_mem>>) src(%arg7 : memref<64xf32, #tpu.memory_space<vmem>>) dst(%dma_wait3A_499 : memref<51200000xf32, #tpu.memory_space<hbm>>)
    %dma_wait3A_500 = arith.constant 0 : i32
    %dma_wait3A_501 = arith.constant 0 : i32
    %dma_wait3A_502 = tpu.memref_slice %arg6[%dma_wait3A_500, %dma_wait3A_501] : memref<25x64xi32, #tpu.memory_space<vmem>> -> memref<1x64xi32, #tpu.memory_space<vmem>>
    %dma_wait3A_503 = tpu.memref_squeeze %dma_wait3A_502 : memref<1x64xi32, #tpu.memory_space<vmem>> -> memref<64xi32, #tpu.memory_space<vmem>>
    %dma_wait3A_504 = arith.constant 0 : i32
    %dma_wait3A_505 = tpu.memref_slice %arg3[%dma_wait3A_504] : memref<51200000xf32, #tpu.memory_space<hbm>> -> memref<51200000xf32, #tpu.memory_space<hbm>>
    tpu.wait_indirect_dma semaphore(%arg9 : memref<!tpu.dma_semaphore, #tpu.memory_space<semaphore_mem>>) src(%arg7 : memref<64xf32, #tpu.memory_space<vmem>>) dst(%dma_wait3A_505 : memref<51200000xf32, #tpu.memory_space<hbm>>)
    %dma_wait3A_506 = arith.constant 0 : i32
    %dma_wait3A_507 = arith.constant 0 : i32
    %dma_wait3A_508 = tpu.memref_slice %arg6[%dma_wait3A_506, %dma_wait3A_507] : memref<25x64xi32, #tpu.memory_space<vmem>> -> memref<1x64xi32, #tpu.memory_space<vmem>>
    %dma_wait3A_509 = tpu.memref_squeeze %dma_wait3A_508 : memref<1x64xi32, #tpu.memory_space<vmem>> -> memref<64xi32, #tpu.memory_space<vmem>>
    %dma_wait3A_510 = arith.constant 0 : i32
    %dma_wait3A_511 = tpu.memref_slice %arg3[%dma_wait3A_510] : memref<51200000xf32, #tpu.memory_space<hbm>> -> memref<51200000xf32, #tpu.memory_space<hbm>>
    tpu.wait_indirect_dma semaphore(%arg9 : memref<!tpu.dma_semaphore, #tpu.memory_space<semaphore_mem>>) src(%arg7 : memref<64xf32, #tpu.memory_space<vmem>>) dst(%dma_wait3A_511 : memref<51200000xf32, #tpu.memory_space<hbm>>)
    return
  }
}

</mosaic_0001>

<sc_bundles>
// kernel: kernel.3.cloned.1.call-start
scs
__scs_entry_jumppad:
0x0: {  	(pc) =	sbr.rel $0x88, $3  }
0x1: {  	(tag) =	ssettag $0x0;
	lr =	simm.s32 $0x1  }
0x2: {  	[smem:$0x3FA0] =	sst lr;
	_ =	strace $0xD0000000  }
0x3: {  	_ = 	snop  }
0x4: {  	_ = 	snop  }
0x5: {  	_ = 	snop  }
0x6: {  	_ = 	snop  }
0x7: {  	_ = 	snop  }
__scs_overlays_trampoline_lowered:
0x8: {  	[smem:$0x3FAF] =	sst s0  }
0x9: {  	[smem:$0x3FB0] =	sst s1  }
0xa: {  	[smem:$0x3FB1] =	sst s2  }
0xb: {  	[smem:$0x3FB2] =	sst s3  }
0xc: {  	[smem:$0x3FB3] =	sst s4  }
0xd: {  	[smem:$0x3FB4] =	sst s5  }
0xe: {  	[smem:$0x3FB5] =	sst s6  }
0xf: {  	[smem:$0x3FB6] =	sst s7  }
0x10: {  	[smem:$0x3FB7] =	sst s8  }
0x11: {  	[smem:$0x3FB8] =	sst s9;
	s0 =	simm.s32 @!p0 $0x0  }
0x12: {  	s1 =	sld [smem:$0x3F9E];
	s0 =	simm.s32 @p0 $0x1  }
0x13: {  	[smem:$0x3FB9] =	sst s0;
	s0 =	simm.s32 @!p1 $0x0  }
0x14: {  	s2 =	sld [smem:$0x3F9D];
	s0 =	simm.s32 @p1 $0x1  }
0x15: {  	[smem:$0x3FBA] =	sst s0;
	s0 =	simm.s32 @!p2 $0x0  }
0x16: {  	s3 =	sld [smem:$0x3FDB];
	s0 =	simm.s32 @p2 $0x1  }
0x17: {  	s4 =	simm.s32 $0x1BF5;
	[smem:$0x3FBC] =	sst s0  }
0x18: {  	s0 =	sld [smem:$0x3F9F];
	_ =	swait.ge [sflag:s4], $0x0  }
0x19: {  	s7 =	sld [smem:$0x3FA0]  }
0x1a: {  	s8 =	sadd.s32 $0xFFFFE003, lr  }
0x1b: {  	s9 =	sadd.s32 $0xFFFFFEF7, lr;
	s5 =	simm.s32 $0xFFFFFFFF;
	p2 =	slt.u32 s8, $0xFFFFF086  }
0x1c: {  	p1 =	slt.u32 s9, $0xF7A;
	s5 =	simm.s32 @!p2 $0x0  }
0x1d: {  	s5 =	simm.s32 @p1 $0x1;
	p0 =	seq.s32 s7, s2  }
0x1e: {  	s7 =	smul.u32 @!p0 $0xF7A, s2;
	p2 =	seq.s32 @!p0 s5, $0x0  }
0x1f: {  	s9 =	smul.u32 $0xF7A, s1;
	s8 =	simm.s32 @!p0 $0x1BF5;
	p2 =	por !p2, p0  }
0x20: {  	[sflag:s8] =	ssyncset.s32 @!p0 $0xFFFFF086;
	s6 =	sadd.s32 @!p0 s3, s7;
	s7 =	simm.s32 @!p0 $0x108  }
0x21: {  	s3 =	sadd.s32 s3, s9;
	s6 =	sadd.s32 @!p0 $0x88, s6;
	s7 =	simm.s32 @p2 $0x1082  }
0x22: {  	[simem:s7], [sflag:s8] =	dma.local @!p0 [hbm:s6], $0xF7A  }
0x23: {  	s9 =	sor.u32 $0xD0000000, s2;
	s6 =	simm.s32 $0x108;
	_ =	swait.ge @!p0 [sflag:s8], $0x0  }
0x24: {  	s3 =	sadd.s32 $0x88, s3;
	s6 =	simm.s32 @!p1 $0x1082;
	[sflag:s4] =	ssyncset.s32 $0xFFFFF086  }
0x25: {  	[simem:s6], [sflag:s4] =	dma.local [hbm:s3], $0xF7A  }
0x26: {  	[smem:$0x3FA0] =	sst s1;
	(tag) =	ssettag s2;
	_ =	strace s9  }
0x27: {  	s1 =	sld [smem:$0x3FB0]  }
0x28: {  	s2 =	sld [smem:$0x3FB1]  }
0x29: {  	s4 =	sld [smem:$0x3FB3]  }
0x2a: {  	p0 =	seq.s32 s5, $0x0;
	s5 =	sld [smem:$0x3FB4]  }
0x2b: {  	s6 =	sld [smem:$0x3FB5]  }
0x2c: {  	s7 =	sld [smem:$0x3FB6]  }
0x2d: {  	s3 =	simm.s32 $0x108;
	s8 =	sld [smem:$0x3FB7]  }
0x2e: {  	s3 =	simm.s32 @!p0 $0x1082;
	s9 =	sld [smem:$0x3FB8]  }
0x2f: {  	lr =	sadd.s32 s0, s3;
	s0 =	sld [smem:$0x3FAF]  }
0x30: {  	s3 =	sld [smem:$0x3FB2]  }
0x31: {  	[smem:$0x3FBB] =	sst s10  }
0x32: {  	s10 =	sld [smem:$0x3FB9];
	_ =	sdelay $0x3  }
0x33: {  	p0 =	seq.s32 s10, $0x1;
	s10 =	sld [smem:$0x3FBB];
	_ =	sdelay $0x3  }
0x34: {  	[smem:$0x3FBB] =	sst s10  }
0x35: {  	s10 =	sld [smem:$0x3FBA];
	_ =	sdelay $0x3  }
0x36: {  	p1 =	seq.s32 s10, $0x1;
	s10 =	sld [smem:$0x3FBB];
	_ =	sdelay $0x3  }
0x37: {  	[smem:$0x3FBB] =	sst s10  }
0x38: {  	s10 =	sld [smem:$0x3FBC]  }
0x39: {  	_ = 	snop;
	(pc) =	sbr.ind lr, $3  }
0x3a: {  	_ = 	snop  }
0x3b: {  	_ = 	snop  }
0x3c: {  	p2 =	seq.s32 s10, $0x1;
	s10 =	sld [smem:$0x3FBB]  }
0x3d: {  	_ =	shalt  }
0x3e: {  	_ =	shalt  }
0x3f: {  	_ =	shalt  }
0x40: {  	_ =	shalt  }
0x41: {  	_ =	shalt  }
0x42: {  	_ =	shalt  }
0x43: {  	_ =	shalt  }
0x44: {  	_ =	shalt  }
0x45: {  	_ =	shalt  }
0x46: {  	_ =	shalt  }
0x47: {  	_ =	shalt  }
0x48: {  	_ =	shalt  }
0x49: {  	_ =	shalt  }
0x4a: {  	_ =	shalt  }
0x4b: {  	_ =	shalt  }
0x4c: {  	_ =	shalt  }
0x4d: {  	_ =	shalt  }
0x4e: {  	_ =	shalt  }
0x4f: {  	_ =	shalt  }
0x50: {  	_ =	shalt  }
0x51: {  	_ =	shalt  }
0x52: {  	_ =	shalt  }
0x53: {  	_ =	shalt  }
0x54: {  	_ =	shalt  }
0x55: {  	_ =	shalt  }
0x56: {  	_ =	shalt  }
0x57: {  	_ =	shalt  }
0x58: {  	_ =	shalt  }
0x59: {  	_ =	shalt  }
0x5a: {  	_ =	shalt  }
0x5b: {  	_ =	shalt  }
0x5c: {  	_ =	shalt  }
0x5d: {  	_ =	shalt  }
0x5e: {  	_ =	shalt  }
0x5f: {  	_ =	shalt  }
0x60: {  	_ =	shalt  }
0x61: {  	_ =	shalt  }
0x62: {  	_ =	shalt  }
0x63: {  	_ =	shalt  }
0x64: {  	_ =	shalt  }
0x65: {  	_ =	shalt  }
0x66: {  	_ =	shalt  }
0x67: {  	_ =	shalt  }
0x68: {  	_ =	shalt  }
0x69: {  	_ =	shalt  }
0x6a: {  	_ =	shalt  }
0x6b: {  	_ =	shalt  }
0x6c: {  	_ =	shalt  }
0x6d: {  	_ =	shalt  }
0x6e: {  	_ =	shalt  }
0x6f: {  	_ =	shalt  }
0x70: {  	_ =	shalt  }
0x71: {  	_ =	shalt  }
0x72: {  	_ =	shalt  }
0x73: {  	_ =	shalt  }
0x74: {  	_ =	shalt  }
0x75: {  	_ =	shalt  }
0x76: {  	_ =	shalt  }
0x77: {  	_ =	shalt  }
0x78: {  	_ =	shalt  }
0x79: {  	_ =	shalt  }
0x7a: {  	_ =	shalt  }
0x7b: {  	_ =	shalt  }
0x7c: {  	_ =	shalt  }
0x7d: {  	_ =	shalt  }
0x7e: {  	_ =	shalt  }
0x7f: {  	_ =	shalt  }
0x80: {  	_ =	shalt  }
0x81: {  	_ =	shalt  }
0x82: {  	_ =	shalt  }
0x83: {  	_ =	shalt  }
0x84: {  	_ =	shalt  }
0x85: {  	_ =	shalt  }
0x86: {  	_ =	shalt  }
0x87: {  	_ =	shalt  }
.Lfunc_end0:
.L_simem_size_0:
called_computation.1_lowered:
.L_overlay_start_0:
0x88: {  	s2 =	sld [smem:$0x3FD9]  }
0x89: {  	s3 =	sld [smem:$0x3FFE];
	_ =	sdelay $0x1  }
0x8a: {  	s1 =	srdreg.scid  }
0x8b: {  	s0 =	sand.u32 $0x1, s1  }
0x8c: {  	s17 =	sshll.u32 s0, $0xA;
	s2 =	sadd.s32 s3, s2  }
0x8d: {  	s2 =	sadd.s32 s2, s17  }
0x8e: {  	[smem:$0x3FC7] =	sst s2  }
0x8f: {  	_ = 	snop  }
0x90: {  	s2 =	sld [smem:$0x3FD0];
	(tm) =	ssettm $0x1  }
0x91: {  	s18 =	sld [smem:$0x3FFB];
	_ =	sdelay $0x3  }
0x92: {  	_ =	strace s18  }
0x93: {  	s3 =	sld [smem:$0x3FFC];
	_ =	sdelay $0x3  }
0x94: {  	_ =	strace s3  }
0x95: {  	s3 =	sld [smem:$0x3FFD];
	_ =	sdelay $0x3  }
0x96: {  	_ =	strace s3  }
0x97: {  	_ =	strace $0x8FFFFFFF  }
0x98: {  	s19 =	sld [smem:$0x3FDB];
	_ =	sdelay $0x1  }
0x99: {  	s4 =	simm.s32 $_scs_section_size  }
0x9a: {  	s5 =	simm.s32 $_size__tile_overlayer_lowered;
	s6 =	simm.s32 $_tile_overlayer_lowered  }
0x9b: {  	s22 =	simm.s32 $0x1BFF;
	s21 =	sshll.u32 s6, $0x1;
	s3 =	sadd.s32 s4, s19  }
0x9c: {  	s7 =	simm.s32 $0x0;
	s20 =	sshll.u32 s5, $0x1;
	s5 =	sadd.s32 s21, s3  }
0x9d: {  	[timem:s7], [sflag:s22] =	dma.local [hbm:s5], s20  }
0x9e: {  	_ =	swait.ge [sflag:s22], s20  }
0x9f: {  	s4 =	ssub.s32 $0x0, s20;
	[sflag:s22] =	ssyncset.done $0x0  }
0xa0: {  	[sflag:s22] =	ssyncadd.s32 s4;
	_ =	sdelay $0x1  }
0xa1: {  	s23 =	simm.s32 $0x1B8B  }
0xa2: {  	_ =	swait.ge [sflag:s23], $0x1  }
0xa3: {  	[sflag:s23] =	ssyncset.done $0x0  }
0xa4: {  	s25 =	simm.s32 $0x1B8E;
	s24 =	sld [smem:$0x3FFE];
	[sflag:s23] =	ssyncadd.s32 $0xFFFFFFFF  }
0xa5: {  	s26 =	simm.s32 $execute0_lowered;
	[smem:$0x3FD2] =	sst s25  }
0xa6: {  	s5 =	sshll.u32 s26, $0x1;
	_ =	strace $0x80000046;
	[dreg:$0x1] =	wrdreg $0xFFFFFFFF  }
0xa7: {  	s28 =	simm.s32 $_size_execute0_lowered;
	s3 =	sadd.s32 s3, s5;
	[dreg:$0x0] =	wrdreg $0x0  }
0xa8: {  	s5 =	sshll.u32 s28, $0x1;
	[dreg:$0x2] =	wrdreg s3  }
0xa9: {  	[dreg:$0x3] =	wrdreg s5  }
0xaa: {  	[dreg:$0x4] =	wrdreg $0xC0  }
0xab: {  	_ =	task [dreg:s7], $0x5FFFF  }
0xac: {  	[dreg:$0x1] =	wrdreg $0xFFFFFFFF  }
0xad: {  	[dreg:$0x0] =	wrdreg $0x60  }
0xae: {  	[dreg:$0x2] =	wrdreg s24  }
0xaf: {  	[dreg:$0x3] =	wrdreg s2  }
0xb0: {  	[dreg:$0x4] =	wrdreg $0x9  }
0xb1: {  	_ =	task.clear_ibuf [dreg:s7], $0x5FFFF;
	_ =	strace $0x90000046  }
0xb2: {  	s29 =	simm.s32 $0x9;
	_ =	strace $0x80000048  }
0xb3: {  	_ =	swait.ge [sflag:s29], $0x1  }
0xb4: {  	[sflag:s29] =	ssyncadd.s32 $0xFFFFFFFF  }
0xb5: {  	_ =	strace $0x90000048  }
0xb6: {  	_ =	sfence  }
0xb7: {  	s30 =	sld [smem:$0x0];
	_ =	sdelay $0x2  }
0xb8: {  	s31 =	sshll.u32 s1, $0xD;
	s1 =	sshrl.u32 s1, $0x2  }
0xb9: {  	s3 =	sand.u32 $0x4000, s31;
	s1 =	sadd.s32 s1, s30  }
0xba: {  	s0 =	sor.u32 s3, s0;
	s1 =	sshll.u32 s1, $0x11  }
0xbb: {  	s0 =	sor.u32 s1, s0  }
0xbc: {  	s0 =	sadd.s32 $0x8F2B, s0  }
0xbd: {  	[sflag:s0] =	ssyncadd.remote.s32 $0x1  }
0xbe: {  	_ =	sfence.sel $0xFFFF  }
0xbf: {  	[dreg:$0x0] =	wrdreg $0xFFFFFFFF;
	(pc) =	sbr.abs _section_cstart, $3  }
0xc0: {  	[dreg:$0x1] =	wrdreg $0xFFFFFFFF  }
0xc1: {  	_ =	task.clear_ibuf [dreg:s7], $0x2FFFF;
	_ =	strace $0x9FFFFFFF  }
0xc2: {  	(tm) =	ssettm $0x7FFFFFFF  }
0xc3: {  	_ =	shalt  }
tec
execute0_lowered:
.L_overlay_start_1:
0x0: {  	(tag) =	ssettag $0x1  }
0x1: {  	s0 =	srdreg.scid;
	s1 =	rddreg [dreg:$0x0]  }
0x2: {  	s16 =	stileid.u32;
	s2 =	rddreg [dreg:$0x1]  }
0x3: {  	s23 =	simm.s32 $0x680;
	s24 =	simm.s32 $0x3;
	s25 =	simm.s32 $0x1  }
0x4: {  	s0 =	sand.u32 $0x1, s0;
	s3 =	sshll.u32 s16, $0x1;
	s22 =	smul.u32 $0xC80, s16  }
0x5: {  	s4 =	sor.u32 s0, s3;
	s6 =	ssub.s32 $0x2, s0;
	s0 =	smul.u32 $0x640, s0  }
0x6: {  	s26 =	simm.s32 $0x40;
	s3 =	simm.s32 $0x0;
	s5 =	smul.u32 $0x640, s4  }
0x7: {  	s29 =	simm.s32 $0x19D80;
	[smem:$0x7FF] =	sst s3;
	s4 =	smul.u32 $0x186A00, s4  }
0x8: {  	s28 =	simm.s32 $0x2;
	s7 =	sshrl.u32 s6, $0x1;
	_ =	strace $0x80000047  }
0x9: {  	s21 =	ssub.s32 s6, s7;
	s22 =	sadd.s32 s0, s22;
	s4 =	sshrl.u32 s4, $0x3  }
0xa: {  	s5 =	sshrl.u32 s5, $0x3;
	s21 =	smax.u32 s21, $0x1;
	s4 =	sadd.s32 s2, s4  }
0xb: {  	s1 =	sadd.s32 s5, s1;
	s31 =	sadd.s32 $0x30D4, s4;
	s6 =	sadd.s32 $0x61A8, s4  }
0xc: {  	s7 =	sadd.s32 $0x927C, s4;
	s8 =	sadd.s32 $0xC350, s4;
	s9 =	sadd.s32 $0xF424, s4  }
0xd: {  	s10 =	sadd.s32 $0x124F8, s4;
	s11 =	sadd.s32 $0x155CC, s4;
	s12 =	sadd.s32 $0x186A0, s4  }
0xe: {  	s13 =	sadd.s32 $0x1B774, s4;
	s14 =	sadd.s32 $0x1E848, s4;
	s15 =	sadd.s32 $0x2191C, s4  }
0xf: {  	v2 =	vlaneseq.u32;
	s16 =	sadd.s32 $0x249F0, s4;
	s17 =	sadd.s32 $0x27AC4, s4;
	s18 =	sadd.s32 $0x2AB98, s4  }
0x10: {  	v0 =	vimm.f32 $0.0e+00;
	v1 =	vimm.f32 $1.000000000e+00;
	v2 =	vmul.u32 $0x3E8, v2;
	s19 =	sadd.s32 $0x2DC6C, s4;
	s20 =	sadd.s32 $0x800, s1;
	[dreg:$0x3] =	wrdreg s31  }
.LBB2_1:
0x11: {  	s0 =	simm.s32 $0x6C0  }
0x12: {  	[tilespmem:s0+$0xFFFFFFC0] =	vst v0  }
0x13: {  	[tilespmem:s0+$0x30] =	vst v0  }
0x14: {  	[tilespmem:s0+$0x20] =	vst v0  }
0x15: {  	[tilespmem:s0+$0x10] =	vst v0  }
0x16: {  	[tilespmem:s0+$0x0] =	vst v0  }
0x17: {  	[tilespmem:s0+$0xFFFFFFF0] =	vst v0  }
0x18: {  	s1 =	simm.s32 $0x0;
	[tilespmem:s0+$0xFFFFFFE0] =	vst v0  }
.LBB2_2:
0x19: {  	s1 =	sadd.s32 $0x8, s1;
	[tilespmem:s0+$0xFFFFFFD0] =	vst v0;
	s0 =	sadd.s32 $0x80, s0  }
0x1a: {  	[tilespmem:s0+$0xFFFFFFC0] =	vst v0;
	p0 =	slt.u32 s1, $0x1860  }
0x1b: {  	[tilespmem:s0+$0x30] =	vst v0  }
.Ltmp0:
0x1c: {  	[tilespmem:s0+$0x20] =	vst v0;
	(pc) =	sbr.rel @p0 .LBB2_2-.Ltmp0, $4  }
0x1d: {  	[tilespmem:s0+$0x10] =	vst v0  }
0x1e: {  	[tilespmem:s0+$0x0] =	vst v0  }
0x1f: {  	[tilespmem:s0+$0xFFFFFFF0] =	vst v0  }
0x20: {  	[tilespmem:s0+$0xFFFFFFE0] =	vst v0  }
0x21: {  	[tilespmem:s0+$0xFFFFFFD0] =	vst v0  }
0x22: {  	[tilespmem:$0x18D00] =	vst v0  }
0x23: {  	s5 =	simm.s32 $0x0;
	[tilespmem:$0x18D10] =	vst v0  }
0x24: {  	[hbm4b:s4+s5] =	stream.linear.scatter [tilespmem:s23], [sflag:$0x1], $0x186A0, $0x38;
	[tilespmem:$0x19E00] =	vst v63  }
0x25: {  	s1 =	rddreg [dreg:$0x3]  }
0x26: {  	[hbm4b:s1+s5] =	stream.linear.scatter [tilespmem:s23], [sflag:$0x1], $0x186A0, $0x38;
	[tilespmem:$0x19E00] =	vst v63  }
0x27: {  	_ = 	snop  }
0x28: {  	[hbm4b:s6+s5] =	stream.linear.scatter [tilespmem:s23], [sflag:$0x1], $0x186A0, $0x38;
	[tilespmem:$0x19E00] =	vst v63  }
0x29: {  	_ = 	snop  }
0x2a: {  	[hbm4b:s7+s5] =	stream.linear.scatter [tilespmem:s23], [sflag:$0x1], $0x186A0, $0x38;
	[tilespmem:$0x19E00] =	vst v63  }
0x2b: {  	_ = 	snop  }
0x2c: {  	[hbm4b:s8+s5] =	stream.linear.scatter [tilespmem:s23], [sflag:$0x1], $0x186A0, $0x38;
	[tilespmem:$0x19E00] =	vst v63  }
0x2d: {  	_ = 	snop  }
0x2e: {  	[hbm4b:s9+s5] =	stream.linear.scatter [tilespmem:s23], [sflag:$0x1], $0x186A0, $0x38;
	[tilespmem:$0x19E00] =	vst v63  }
0x2f: {  	_ = 	snop  }
0x30: {  	[hbm4b:s10+s5] =	stream.linear.scatter [tilespmem:s23], [sflag:$0x1], $0x186A0, $0x38;
	[tilespmem:$0x19E00] =	vst v63  }
0x31: {  	_ = 	snop  }
0x32: {  	[hbm4b:s11+s5] =	stream.linear.scatter [tilespmem:s23], [sflag:$0x1], $0x186A0, $0x38;
	[tilespmem:$0x19E00] =	vst v63  }
0x33: {  	_ = 	snop  }
0x34: {  	[hbm4b:s12+s5] =	stream.linear.scatter [tilespmem:s23], [sflag:$0x1], $0x186A0, $0x38;
	[tilespmem:$0x19E00] =	vst v63  }
0x35: {  	_ = 	snop  }
0x36: {  	[hbm4b:s13+s5] =	stream.linear.scatter [tilespmem:s23], [sflag:$0x1], $0x186A0, $0x38;
	[tilespmem:$0x19E00] =	vst v63  }
0x37: {  	_ = 	snop  }
0x38: {  	[hbm4b:s14+s5] =	stream.linear.scatter [tilespmem:s23], [sflag:$0x1], $0x186A0, $0x38;
	[tilespmem:$0x19E00] =	vst v63  }
0x39: {  	_ = 	snop  }
0x3a: {  	[hbm4b:s15+s5] =	stream.linear.scatter [tilespmem:s23], [sflag:$0x1], $0x186A0, $0x38;
	[tilespmem:$0x19E00] =	vst v63  }
0x3b: {  	_ = 	snop  }
0x3c: {  	[hbm4b:s16+s5] =	stream.linear.scatter [tilespmem:s23], [sflag:$0x1], $0x186A0, $0x38;
	[tilespmem:$0x19E00] =	vst v63  }
0x3d: {  	_ = 	snop  }
0x3e: {  	[hbm4b:s17+s5] =	stream.linear.scatter [tilespmem:s23], [sflag:$0x1], $0x186A0, $0x38;
	[tilespmem:$0x19E00] =	vst v63  }
0x3f: {  	_ = 	snop  }
0x40: {  	[hbm4b:s18+s5] =	stream.linear.scatter [tilespmem:s23], [sflag:$0x1], $0x186A0, $0x38;
	[tilespmem:$0x19E00] =	vst v63  }
0x41: {  	_ = 	snop  }
0x42: {  	[hbm4b:s19+s5] =	stream.linear.scatter [tilespmem:s23], [sflag:$0x1], $0x186A0, $0x38;
	[tilespmem:$0x19E00] =	vst v63  }
0x43: {  	_ = 	snop  }
0x44: {  	[tilespmem:s5], [sflag:$0x3] =	stream.linear.gather [hbm4b:s20+s5], $0x640, $0x38;
	[tilespmem:$0x19E00] =	vst v63  }
0x45: {  	_ =	swait.ge [sflag:s24], $0x640  }
0x46: {  	[sflag:s24] =	ssyncset.done $0x0  }
0x47: {  	[sflag:s24] =	ssyncadd.s32 $0xFFFFF9C0  }
0x48: {  	[tilespmem:$0x19D80] =	vst v1  }
0x49: {  	[tilespmem:$0x19D90] =	vst v1  }
0x4a: {  	[tilespmem:$0x19DA0] =	vst v1  }
0x4b: {  	s0 =	simm.s32 $0x20;
	s5 =	sadd.s32 $0x0, s22;
	[tilespmem:$0x19DB0] =	vst v1  }
0x4c: {  	v4 =	vmov s5;
	v3 =	vld [tilespmem:s0+$0xFFFFFFE0]  }
0x4d: {  	v4 =	vmul.u32 $0x3E8, v4;
	_ =	sdelay $0x1  }
0x4e: {  	v4 =	vbroadcast v4, $0x0;
	_ =	sdelay $0x1  }
0x4f: {  	v3 =	vadd.s32 v3, v4  }
0x50: {  	s30 =	simm.s32 $0x18DA0;
	v3 =	vadd.s32 v2, v3  }
0x51: {  	s31 =	sadd.s32 $0x10, s5;
	[tilespmem:s30+$0xFFFFFFE0] =	vst v3  }
0x52: {  	v61 =	vmov s31;
	v3 =	vld [tilespmem:s0+$0xFFFFFFF0]  }
0x53: {  	v4 =	vmul.u32 $0x3E8, v61;
	_ =	sdelay $0x1  }
0x54: {  	v4 =	vbroadcast v4, $0x0;
	_ =	sdelay $0x1  }
0x55: {  	v3 =	vadd.s32 v3, v4  }
0x56: {  	v3 =	vadd.s32 v2, v3  }
0x57: {  	s31 =	sadd.s32 $0x20, s5;
	[tilespmem:s30+$0xFFFFFFF0] =	vst v3  }
0x58: {  	v62 =	vmov s31;
	v3 =	vld [tilespmem:s0+$0x0]  }
0x59: {  	v4 =	vmul.u32 $0x3E8, v62;
	_ =	sdelay $0x1  }
0x5a: {  	v4 =	vbroadcast v4, $0x0;
	_ =	sdelay $0x1  }
0x5b: {  	v3 =	vadd.s32 v3, v4  }
0x5c: {  	v3 =	vadd.s32 v2, v3  }
0x5d: {  	s1 =	sadd.s32 $0x30, s5;
	[tilespmem:s30+$0x0] =	vst v3  }
0x5e: {  	v63 =	vmov s1;
	v3 =	vld [tilespmem:s0+$0x10]  }
0x5f: {  	v4 =	vmul.u32 $0x3E8, v63;
	_ =	sdelay $0x1  }
0x60: {  	v4 =	vbroadcast v4, $0x0;
	_ =	sdelay $0x1  }
0x61: {  	v3 =	vadd.s32 v3, v4  }
0x62: {  	v3 =	vadd.s32 v2, v3  }
0x63: {  	s1 =	sadd.s32 $0x40, s22;
	s31 =	simm.s32 $0x60;
	s0 =	simm.s32 $0x80;
	[tilespmem:s30+$0x10] =	vst v3  }
.LBB2_4:
0x64: {  	p0 =	sne.s32 s0, $0x600;
	v3 =	vld [tilespmem:s31+$0xFFFFFFE0];
	v4 =	vmov s1  }
0x65: {  	v4 =	vmul.u32 $0x3E8, v4;
	_ =	sdelay $0x1  }
0x66: {  	v4 =	vbroadcast v4, $0x0;
	_ =	sdelay $0x1  }
0x67: {  	v3 =	vadd.s32 v3, v4  }
0x68: {  	s30 =	sadd.s32 $0x80, s30;
	v3 =	vadd.s32 v2, v3  }
0x69: {  	s5 =	sadd.s32 $0x10, s1;
	[tilespmem:s30+$0xFFFFFFE0] =	vst v3  }
0x6a: {  	v4 =	vmov s5;
	v3 =	vld [tilespmem:s31+$0xFFFFFFF0]  }
0x6b: {  	v4 =	vmul.u32 $0x3E8, v4;
	_ =	sdelay $0x1  }
0x6c: {  	v4 =	vbroadcast v4, $0x0;
	_ =	sdelay $0x1  }
0x6d: {  	v3 =	vadd.s32 v3, v4  }
0x6e: {  	v3 =	vadd.s32 v2, v3  }
0x6f: {  	s5 =	sadd.s32 $0x20, s1;
	[tilespmem:s30+$0xFFFFFFF0] =	vst v3  }
0x70: {  	v4 =	vmov s5;
	v3 =	vld [tilespmem:s31+$0x0]  }
0x71: {  	v4 =	vmul.u32 $0x3E8, v4;
	_ =	sdelay $0x1  }
0x72: {  	v4 =	vbroadcast v4, $0x0;
	_ =	sdelay $0x1  }
0x73: {  	v3 =	vadd.s32 v3, v4  }
0x74: {  	v3 =	vadd.s32 v2, v3  }
0x75: {  	s1 =	sadd.s32 $0x30, s1;
	[tilespmem:s30+$0x0] =	vst v3  }
0x76: {  	v4 =	vmov s1;
	v3 =	vld [tilespmem:s31+$0x10]  }
0x77: {  	v4 =	vmul.u32 $0x3E8, v4;
	_ =	sdelay $0x1  }
.Ltmp1:
0x78: {  	v4 =	vbroadcast v4, $0x0;
	(pc) =	sbr.rel @p0 .LBB2_4-.Ltmp1, $4  }
0x79: {  	_ = 	snop  }
0x7a: {  	v3 =	vadd.s32 v3, v4  }
0x7b: {  	v3 =	vadd.s32 v2, v3  }
0x7c: {  	s1 =	sadd.s32 s0, s22;
	s0 =	sadd.s32 $0x40, s0;
	s31 =	sadd.s32 $0x40, s31;
	[tilespmem:s30+$0x10] =	vst v3  }
0x7d: {  	v3 =	vld [tilespmem:s31+$0xFFFFFFE0];
	v4 =	vmov s1  }
0x7e: {  	v4 =	vmul.u32 $0x3E8, v4;
	_ =	sdelay $0x1  }
0x7f: {  	v4 =	vbroadcast v4, $0x0;
	_ =	sdelay $0x1  }
0x80: {  	v3 =	vadd.s32 v3, v4  }
0x81: {  	s0 =	sadd.s32 $0x80, s30;
	v3 =	vadd.s32 v2, v3  }
0x82: {  	s5 =	sadd.s32 $0x10, s1;
	[tilespmem:s0+$0xFFFFFFE0] =	vst v3  }
0x83: {  	v61 =	vmov s5;
	v3 =	vld [tilespmem:s31+$0xFFFFFFF0]  }
0x84: {  	v4 =	vmul.u32 $0x3E8, v61;
	_ =	sdelay $0x1  }
0x85: {  	v4 =	vbroadcast v4, $0x0;
	_ =	sdelay $0x1  }
0x86: {  	v3 =	vadd.s32 v3, v4  }
0x87: {  	v3 =	vadd.s32 v2, v3  }
0x88: {  	s30 =	sadd.s32 $0x20, s1;
	[tilespmem:s0+$0xFFFFFFF0] =	vst v3  }
0x89: {  	v3 =	vmov s30;
	v62 =	vld [tilespmem:s31+$0x0]  }
0x8a: {  	v3 =	vmul.u32 $0x3E8, v3;
	_ =	sdelay $0x1  }
0x8b: {  	v3 =	vbroadcast v3, $0x0;
	_ =	sdelay $0x1  }
0x8c: {  	v3 =	vadd.s32 v62, v3  }
0x8d: {  	v3 =	vadd.s32 v2, v3  }
0x8e: {  	s30 =	sadd.s32 $0x30, s1;
	[tilespmem:s0+$0x0] =	vst v3  }
0x8f: {  	v63 =	vmov s30;
	v3 =	vld [tilespmem:s31+$0x10]  }
0x90: {  	v4 =	vmul.u32 $0x3E8, v63;
	_ =	sdelay $0x1  }
0x91: {  	v4 =	vbroadcast v4, $0x0;
	_ =	sdelay $0x1  }
0x92: {  	v3 =	vadd.s32 v3, v4  }
0x93: {  	v3 =	vadd.s32 v2, v3  }
0x94: {  	[tilespmem:s0+$0x10] =	vst v3  }
0x95: {  	_ =	swait.ge [sflag:s25], $0x186A0  }
0x96: {  	[sflag:s25] =	ssyncset.done $0x0  }
0x97: {  	[sflag:s25] =	ssyncadd.s32 $0xFFFE7960  }
0x98: {  	_ =	swait.ge [sflag:s25], $0x186A0  }
0x99: {  	[sflag:s25] =	ssyncset.done $0x0  }
0x9a: {  	[sflag:s25] =	ssyncadd.s32 $0xFFFE7960  }
0x9b: {  	_ =	swait.ge [sflag:s25], $0x186A0  }
0x9c: {  	[sflag:s25] =	ssyncset.done $0x0  }
0x9d: {  	[sflag:s25] =	ssyncadd.s32 $0xFFFE7960  }
0x9e: {  	_ =	swait.ge [sflag:s25], $0x186A0  }
0x9f: {  	[sflag:s25] =	ssyncset.done $0x0  }
0xa0: {  	[sflag:s25] =	ssyncadd.s32 $0xFFFE7960  }
0xa1: {  	_ =	swait.ge [sflag:s25], $0x186A0  }
0xa2: {  	[sflag:s25] =	ssyncset.done $0x0  }
0xa3: {  	[sflag:s25] =	ssyncadd.s32 $0xFFFE7960  }
0xa4: {  	_ =	swait.ge [sflag:s25], $0x186A0  }
0xa5: {  	[sflag:s25] =	ssyncset.done $0x0  }
0xa6: {  	[sflag:s25] =	ssyncadd.s32 $0xFFFE7960  }
0xa7: {  	_ =	swait.ge [sflag:s25], $0x186A0  }
0xa8: {  	[sflag:s25] =	ssyncset.done $0x0  }
0xa9: {  	[sflag:s25] =	ssyncadd.s32 $0xFFFE7960  }
0xaa: {  	_ =	swait.ge [sflag:s25], $0x186A0  }
0xab: {  	[sflag:s25] =	ssyncset.done $0x0  }
0xac: {  	[sflag:s25] =	ssyncadd.s32 $0xFFFE7960  }
0xad: {  	_ =	swait.ge [sflag:s25], $0x186A0  }
0xae: {  	[sflag:s25] =	ssyncset.done $0x0  }
0xaf: {  	[sflag:s25] =	ssyncadd.s32 $0xFFFE7960  }
0xb0: {  	_ =	swait.ge [sflag:s25], $0x186A0  }
0xb1: {  	[sflag:s25] =	ssyncset.done $0x0  }
0xb2: {  	[sflag:s25] =	ssyncadd.s32 $0xFFFE7960  }
0xb3: {  	_ =	swait.ge [sflag:s25], $0x186A0  }
0xb4: {  	[sflag:s25] =	ssyncset.done $0x0  }
0xb5: {  	[sflag:s25] =	ssyncadd.s32 $0xFFFE7960  }
0xb6: {  	_ =	swait.ge [sflag:s25], $0x186A0  }
0xb7: {  	[sflag:s25] =	ssyncset.done $0x0  }
0xb8: {  	[sflag:s25] =	ssyncadd.s32 $0xFFFE7960  }
0xb9: {  	_ =	swait.ge [sflag:s25], $0x186A0  }
0xba: {  	[sflag:s25] =	ssyncset.done $0x0  }
0xbb: {  	[sflag:s25] =	ssyncadd.s32 $0xFFFE7960  }
0xbc: {  	_ =	swait.ge [sflag:s25], $0x186A0  }
0xbd: {  	[sflag:s25] =	ssyncset.done $0x0  }
0xbe: {  	[sflag:s25] =	ssyncadd.s32 $0xFFFE7960  }
0xbf: {  	_ =	swait.ge [sflag:s25], $0x186A0  }
0xc0: {  	[sflag:s25] =	ssyncset.done $0x0  }
0xc1: {  	[sflag:s25] =	ssyncadd.s32 $0xFFFE7960  }
0xc2: {  	_ =	swait.ge [sflag:s25], $0x186A0  }
0xc3: {  	[sflag:s25] =	ssyncset.done $0x0  }
0xc4: {  	s31 =	simm.s32 $0x18D80;
	[sflag:s25] =	ssyncadd.s32 $0xFFFE7960  }
0xc5: {  	[hbm4b:s2+s26] =	stream.indirect.scatter [tilespmem:s29], [sflag:$0x2], $0x1, s31, s26, $0xb8;
	[tilespmem:$0x19E00] =	vst v63  }
0xc6: {  	s1 =	simm.s32 $0x18E00  }
0xc7: {  	[hbm4b:s2+s26] =	stream.indirect.scatter [tilespmem:s29], [sflag:$0x2], $0x1, s1, s26, $0xb8;
	[tilespmem:$0x19E00] =	vst v63  }
0xc8: {  	s5 =	simm.s32 $0x18E80  }
0xc9: {  	[hbm4b:s2+s26] =	stream.indirect.scatter [tilespmem:s29], [sflag:$0x2], $0x1, s5, s26, $0xb8;
	[tilespmem:$0x19E00] =	vst v63  }
0xca: {  	s30 =	simm.s32 $0x18F00  }
0xcb: {  	[hbm4b:s2+s26] =	stream.indirect.scatter [tilespmem:s29], [sflag:$0x2], $0x1, s30, s26, $0xb8;
	[tilespmem:$0x19E00] =	vst v63  }
0xcc: {  	s31 =	simm.s32 $0x18F80  }
0xcd: {  	[hbm4b:s2+s26] =	stream.indirect.scatter [tilespmem:s29], [sflag:$0x2], $0x1, s31, s26, $0xb8;
	[tilespmem:$0x19E00] =	vst v63  }
0xce: {  	s1 =	simm.s32 $0x19000  }
0xcf: {  	[hbm4b:s2+s26] =	stream.indirect.scatter [tilespmem:s29], [sflag:$0x2], $0x1, s1, s26, $0xb8;
	[tilespmem:$0x19E00] =	vst v63  }
0xd0: {  	s5 =	simm.s32 $0x19080  }
0xd1: {  	[hbm4b:s2+s26] =	stream.indirect.scatter [tilespmem:s29], [sflag:$0x2], $0x1, s5, s26, $0xb8;
	[tilespmem:$0x19E00] =	vst v63  }
0xd2: {  	s30 =	simm.s32 $0x19100  }
0xd3: {  	[hbm4b:s2+s26] =	stream.indirect.scatter [tilespmem:s29], [sflag:$0x2], $0x1, s30, s26, $0xb8;
	[tilespmem:$0x19E00] =	vst v63  }
0xd4: {  	s31 =	simm.s32 $0x19180  }
0xd5: {  	[hbm4b:s2+s26] =	stream.indirect.scatter [tilespmem:s29], [sflag:$0x2], $0x1, s31, s26, $0xb8;
	[tilespmem:$0x19E00] =	vst v63  }
0xd6: {  	s1 =	simm.s32 $0x19200  }
0xd7: {  	[hbm4b:s2+s26] =	stream.indirect.scatter [tilespmem:s29], [sflag:$0x2], $0x1, s1, s26, $0xb8;
	[tilespmem:$0x19E00] =	vst v63  }
0xd8: {  	s5 =	simm.s32 $0x19280  }
0xd9: {  	[hbm4b:s2+s26] =	stream.indirect.scatter [tilespmem:s29], [sflag:$0x2], $0x1, s5, s26, $0xb8;
	[tilespmem:$0x19E00] =	vst v63  }
0xda: {  	s30 =	simm.s32 $0x19300  }
0xdb: {  	[hbm4b:s2+s26] =	stream.indirect.scatter [tilespmem:s29], [sflag:$0x2], $0x1, s30, s26, $0xb8;
	[tilespmem:$0x19E00] =	vst v63  }
0xdc: {  	s31 =	simm.s32 $0x19380  }
0xdd: {  	[hbm4b:s2+s26] =	stream.indirect.scatter [tilespmem:s29], [sflag:$0x2], $0x1, s31, s26, $0xb8;
	[tilespmem:$0x19E00] =	vst v63  }
0xde: {  	s1 =	simm.s32 $0x19400  }
0xdf: {  	[hbm4b:s2+s26] =	stream.indirect.scatter [tilespmem:s29], [sflag:$0x2], $0x1, s1, s26, $0xb8;
	[tilespmem:$0x19E00] =	vst v63  }
0xe0: {  	s5 =	simm.s32 $0x19480  }
0xe1: {  	[hbm4b:s2+s26] =	stream.indirect.scatter [tilespmem:s29], [sflag:$0x2], $0x1, s5, s26, $0xb8;
	[tilespmem:$0x19E00] =	vst v63  }
0xe2: {  	s30 =	simm.s32 $0x19500  }
0xe3: {  	[hbm4b:s2+s26] =	stream.indirect.scatter [tilespmem:s29], [sflag:$0x2], $0x1, s30, s26, $0xb8;
	[tilespmem:$0x19E00] =	vst v63  }
0xe4: {  	s31 =	simm.s32 $0x19580  }
0xe5: {  	[hbm4b:s2+s26] =	stream.indirect.scatter [tilespmem:s29], [sflag:$0x2], $0x1, s31, s26, $0xb8;
	[tilespmem:$0x19E00] =	vst v63  }
0xe6: {  	s1 =	simm.s32 $0x19600  }
0xe7: {  	[hbm4b:s2+s26] =	stream.indirect.scatter [tilespmem:s29], [sflag:$0x2], $0x1, s1, s26, $0xb8;
	[tilespmem:$0x19E00] =	vst v63  }
0xe8: {  	s5 =	simm.s32 $0x19680  }
0xe9: {  	[hbm4b:s2+s26] =	stream.indirect.scatter [tilespmem:s29], [sflag:$0x2], $0x1, s5, s26, $0xb8;
	[tilespmem:$0x19E00] =	vst v63  }
0xea: {  	s30 =	simm.s32 $0x19700  }
0xeb: {  	[hbm4b:s2+s26] =	stream.indirect.scatter [tilespmem:s29], [sflag:$0x2], $0x1, s30, s26, $0xb8;
	[tilespmem:$0x19E00] =	vst v63  }
0xec: {  	s31 =	simm.s32 $0x19780  }
0xed: {  	[hbm4b:s2+s26] =	stream.indirect.scatter [tilespmem:s29], [sflag:$0x2], $0x1, s31, s26, $0xb8;
	[tilespmem:$0x19E00] =	vst v63  }
0xee: {  	s1 =	simm.s32 $0x19800  }
0xef: {  	[hbm4b:s2+s26] =	stream.indirect.scatter [tilespmem:s29], [sflag:$0x2], $0x1, s1, s26, $0xb8;
	[tilespmem:$0x19E00] =	vst v63  }
0xf0: {  	s5 =	simm.s32 $0x19880  }
0xf1: {  	[hbm4b:s2+s26] =	stream.indirect.scatter [tilespmem:s29], [sflag:$0x2], $0x1, s5, s26, $0xb8;
	[tilespmem:$0x19E00] =	vst v63  }
0xf2: {  	s30 =	simm.s32 $0x19900  }
0xf3: {  	[hbm4b:s2+s26] =	stream.indirect.scatter [tilespmem:s29], [sflag:$0x2], $0x1, s30, s26, $0xb8;
	[tilespmem:$0x19E00] =	vst v63  }
0xf4: {  	s31 =	simm.s32 $0x19980  }
0xf5: {  	[hbm4b:s2+s26] =	stream.indirect.scatter [tilespmem:s29], [sflag:$0x2], $0x1, s31, s26, $0xb8;
	[tilespmem:$0x19E00] =	vst v63  }
0xf6: {  	_ =	swait.ge [sflag:s28], $0x40  }
0xf7: {  	[sflag:s28] =	ssyncset.done $0x0  }
0xf8: {  	[sflag:s28] =	ssyncadd.s32 $0xFFFFFFC0  }
0xf9: {  	_ =	swait.ge [sflag:s28], $0x40  }
0xfa: {  	[sflag:s28] =	ssyncset.done $0x0  }
0xfb: {  	[sflag:s28] =	ssyncadd.s32 $0xFFFFFFC0  }
0xfc: {  	_ =	swait.ge [sflag:s28], $0x40  }
0xfd: {  	[sflag:s28] =	ssyncset.done $0x0  }
0xfe: {  	[sflag:s28] =	ssyncadd.s32 $0xFFFFFFC0  }
0xff: {  	_ =	swait.ge [sflag:s28], $0x40  }
0x100: {  	[sflag:s28] =	ssyncset.done $0x0  }
0x101: {  	[sflag:s28] =	ssyncadd.s32 $0xFFFFFFC0  }
0x102: {  	_ =	swait.ge [sflag:s28], $0x40  }
0x103: {  	[sflag:s28] =	ssyncset.done $0x0  }
0x104: {  	[sflag:s28] =	ssyncadd.s32 $0xFFFFFFC0  }
0x105: {  	_ =	swait.ge [sflag:s28], $0x40  }
0x106: {  	[sflag:s28] =	ssyncset.done $0x0  }
0x107: {  	[sflag:s28] =	ssyncadd.s32 $0xFFFFFFC0  }
0x108: {  	_ =	swait.ge [sflag:s28], $0x40  }
0x109: {  	[sflag:s28] =	ssyncset.done $0x0  }
0x10a: {  	[sflag:s28] =	ssyncadd.s32 $0xFFFFFFC0  }
0x10b: {  	_ =	swait.ge [sflag:s28], $0x40  }
0x10c: {  	[sflag:s28] =	ssyncset.done $0x0  }
0x10d: {  	[sflag:s28] =	ssyncadd.s32 $0xFFFFFFC0  }
0x10e: {  	_ =	swait.ge [sflag:s28], $0x40  }
0x10f: {  	[sflag:s28] =	ssyncset.done $0x0  }
0x110: {  	[sflag:s28] =	ssyncadd.s32 $0xFFFFFFC0  }
0x111: {  	_ =	swait.ge [sflag:s28], $0x40  }
0x112: {  	[sflag:s28] =	ssyncset.done $0x0  }
0x113: {  	[sflag:s28] =	ssyncadd.s32 $0xFFFFFFC0  }
0x114: {  	_ =	swait.ge [sflag:s28], $0x40  }
0x115: {  	[sflag:s28] =	ssyncset.done $0x0  }
0x116: {  	[sflag:s28] =	ssyncadd.s32 $0xFFFFFFC0  }
0x117: {  	_ =	swait.ge [sflag:s28], $0x40  }
0x118: {  	[sflag:s28] =	ssyncset.done $0x0  }
0x119: {  	[sflag:s28] =	ssyncadd.s32 $0xFFFFFFC0  }
0x11a: {  	_ =	swait.ge [sflag:s28], $0x40  }
0x11b: {  	[sflag:s28] =	ssyncset.done $0x0  }
0x11c: {  	[sflag:s28] =	ssyncadd.s32 $0xFFFFFFC0  }
0x11d: {  	_ =	swait.ge [sflag:s28], $0x40  }
0x11e: {  	[sflag:s28] =	ssyncset.done $0x0  }
0x11f: {  	[sflag:s28] =	ssyncadd.s32 $0xFFFFFFC0  }
0x120: {  	_ =	swait.ge [sflag:s28], $0x40  }
0x121: {  	[sflag:s28] =	ssyncset.done $0x0  }
0x122: {  	[sflag:s28] =	ssyncadd.s32 $0xFFFFFFC0  }
0x123: {  	_ =	swait.ge [sflag:s28], $0x40  }
0x124: {  	[sflag:s28] =	ssyncset.done $0x0  }
0x125: {  	[sflag:s28] =	ssyncadd.s32 $0xFFFFFFC0  }
0x126: {  	_ =	swait.ge [sflag:s28], $0x40  }
0x127: {  	[sflag:s28] =	ssyncset.done $0x0  }
0x128: {  	[sflag:s28] =	ssyncadd.s32 $0xFFFFFFC0  }
0x129: {  	_ =	swait.ge [sflag:s28], $0x40  }
0x12a: {  	[sflag:s28] =	ssyncset.done $0x0  }
0x12b: {  	[sflag:s28] =	ssyncadd.s32 $0xFFFFFFC0  }
0x12c: {  	_ =	swait.ge [sflag:s28], $0x40  }
0x12d: {  	[sflag:s28] =	ssyncset.done $0x0  }
0x12e: {  	[sflag:s28] =	ssyncadd.s32 $0xFFFFFFC0  }
0x12f: {  	_ =	swait.ge [sflag:s28], $0x40  }
0x130: {  	[sflag:s28] =	ssyncset.done $0x0  }
0x131: {  	[sflag:s28] =	ssyncadd.s32 $0xFFFFFFC0  }
0x132: {  	_ =	swait.ge [sflag:s28], $0x40  }
0x133: {  	[sflag:s28] =	ssyncset.done $0x0  }
0x134: {  	[sflag:s28] =	ssyncadd.s32 $0xFFFFFFC0  }
0x135: {  	_ =	swait.ge [sflag:s28], $0x40  }
0x136: {  	[sflag:s28] =	ssyncset.done $0x0  }
0x137: {  	[sflag:s28] =	ssyncadd.s32 $0xFFFFFFC0  }
0x138: {  	_ =	swait.ge [sflag:s28], $0x40  }
0x139: {  	[sflag:s28] =	ssyncset.done $0x0  }
0x13a: {  	s3 =	sadd.s32 $0x1, s3;
	[sflag:s28] =	ssyncadd.s32 $0xFFFFFFC0  }
0x13b: {  	p0 =	sne.s32 s3, s21;
	_ =	swait.ge [sflag:s28], $0x40  }
.Ltmp2:
0x13c: {  	[sflag:s28] =	ssyncset.done $0x0;
	(pc) =	sbr.rel @p0 .LBB2_1-.Ltmp2, $4  }
0x13d: {  	[sflag:s28] =	ssyncadd.s32 $0xFFFFFFC0  }
0x13e: {  	_ =	swait.ge [sflag:s28], $0x40  }
0x13f: {  	[sflag:s28] =	ssyncset.done $0x0  }
0x140: {  	[sflag:s28] =	ssyncadd.s32 $0xFFFFFFC0  }
0x141: {  	_ =	sfence.sel $0x180000  }
0x142: {  	[bflag:$0x0] =	sbarrier.arrive $0xFFFF  }
0x143: {  	_ =	strace $0x90000047  }
0x144: {  	s0 =	stileid.u32;
	[bflag:$0x2] =	sbarrier.arrive $0xFFFF  }
0x145: {  	p0 =	sne.s32 s0, $0x0;
	s0 =	rddreg [dreg:$0x2]  }
0x146: {  	s0 =	sadd.s32 @!p0 $0x100000, s0  }
0x147: {  	[sflag:s0] =	ssyncadd.tile.s32 @!p0 $0x1;
	_ =	shalt  }
.Lfunc_end2:
_tile_overlayer_lowered:
.L_overlay_start_2:
0x148: {  	(tag) =	ssettag $0x2  }
0x149: {  	s0 =	rddreg [dreg:$0x0];
	s2 =	stileid.u32  }
0x14a: {  	s1 =	rddreg [dreg:$0x1];
	p0 =	sne.s32 s2, $0x0  }
0x14b: {  	s3 =	rddreg [dreg:$0x2];
	[bflag:$0x3] =	sbarrier.arrive $0xFFFF;
	s2 =	simm.s32 @!p0 $0x1C03  }
0x14c: {  	[timem:s3], [sflag:s2] =	dma.local @!p0 [hbm:s0], s1  }
0x14d: {  	s0 =	simm.s32 @!p0 $0x3  }
0x14e: {  	_ =	swait.ge @!p0 [sflag:s0], s1  }
0x14f: {  	s1 =	ssub.s32 @!p0 $0x0, s1;
	[sflag:s0] =	ssyncset.done @!p0 $0x0  }
0x150: {  	[sflag:s0] =	ssyncadd.s32 @!p0 s1  }
0x151: {  	[bflag:$0x3] =	sbarrier.arrive $0xFFFF  }
0x152: {  	_ =	shalt  }

// kernel: sparse-core-data-format-call.cloned.1.call-start
scs
called_computation_lowered:
.L_overlay_start_0:
0x0: {  	s2 =	sld [smem:$0x3FD9]  }
0x1: {  	s3 =	sld [smem:$0x3FFE];
	_ =	sdelay $0x1  }
0x2: {  	s1 =	srdreg.scid  }
0x3: {  	s0 =	sand.u32 $0x1, s1  }
0x4: {  	s18 =	sshll.u32 s0, $0xA;
	s2 =	sadd.s32 s3, s2  }
0x5: {  	s2 =	sadd.s32 s2, s18  }
0x6: {  	[smem:$0x3FC7] =	sst s2  }
0x7: {  	_ = 	snop  }
0x8: {  	s2 =	sld [smem:$0x3FD0];
	(tm) =	ssettm $0x1  }
0x9: {  	s19 =	sld [smem:$0x3FFB];
	_ =	sdelay $0x3  }
0xa: {  	_ =	strace s19  }
0xb: {  	s3 =	sld [smem:$0x3FFC];
	_ =	sdelay $0x3  }
0xc: {  	_ =	strace s3  }
0xd: {  	s3 =	sld [smem:$0x3FFD];
	_ =	sdelay $0x3  }
0xe: {  	_ =	strace s3  }
0xf: {  	_ =	strace $0x8FFFFFFF  }
0x10: {  	s20 =	sld [smem:$0x3FDB];
	_ =	sdelay $0x1  }
0x11: {  	s4 =	simm.s32 $_scs_section_size  }
0x12: {  	s5 =	simm.s32 $_size__tile_overlayer_lowered;
	s6 =	simm.s32 $_tile_overlayer_lowered  }
0x13: {  	s23 =	simm.s32 $0x1BFF;
	s22 =	sshll.u32 s6, $0x1;
	s3 =	sadd.s32 s4, s20  }
0x14: {  	s7 =	simm.s32 $0x0;
	s21 =	sshll.u32 s5, $0x1;
	s5 =	sadd.s32 s22, s3  }
0x15: {  	[timem:s7], [sflag:s23] =	dma.local [hbm:s5], s21  }
0x16: {  	_ =	swait.ge [sflag:s23], s21  }
0x17: {  	s4 =	ssub.s32 $0x0, s21;
	[sflag:s23] =	ssyncset.done $0x0  }
0x18: {  	[sflag:s23] =	ssyncadd.s32 s4;
	_ =	sdelay $0x1  }
0x19: {  	s24 =	simm.s32 $0x1B8B  }
0x1a: {  	_ =	swait.ge [sflag:s24], $0x1  }
0x1b: {  	[sflag:s24] =	ssyncset.done $0x0  }
0x1c: {  	s26 =	simm.s32 $0x1B8E;
	s25 =	sld [smem:$0x3FFE];
	[sflag:s24] =	ssyncadd.s32 $0xFFFFFFFF  }
0x1d: {  	s27 =	simm.s32 $execute0_lowered;
	[smem:$0x3FD2] =	sst s26  }
0x1e: {  	s5 =	sshll.u32 s27, $0x1;
	_ =	strace $0x80000049;
	[dreg:$0x1] =	wrdreg $0xFFFFFFFF  }
0x1f: {  	s28 =	simm.s32 $_size_execute0_lowered;
	s3 =	sadd.s32 s3, s5;
	[dreg:$0x0] =	wrdreg $0x0  }
0x20: {  	s5 =	sshll.u32 s28, $0x1;
	[dreg:$0x2] =	wrdreg s3  }
0x21: {  	[dreg:$0x3] =	wrdreg s5  }
0x22: {  	[dreg:$0x4] =	wrdreg $0xC0  }
0x23: {  	_ =	task [dreg:s7], $0x5FFFF  }
0x24: {  	[dreg:$0x1] =	wrdreg $0xFFFFFFFF  }
0x25: {  	[dreg:$0x0] =	wrdreg $0x60  }
0x26: {  	[dreg:$0x2] =	wrdreg s25  }
0x27: {  	[dreg:$0x3] =	wrdreg s2  }
0x28: {  	[dreg:$0x4] =	wrdreg $0x9  }
0x29: {  	_ =	task.clear_ibuf [dreg:s7], $0x5FFFF;
	_ =	strace $0x90000049  }
0x2a: {  	s29 =	simm.s32 $0x9;
	_ =	strace $0x8000004B  }
0x2b: {  	_ =	swait.ge [sflag:s29], $0x1  }
0x2c: {  	[sflag:s29] =	ssyncadd.s32 $0xFFFFFFFF  }
0x2d: {  	_ =	strace $0x9000004B  }
0x2e: {  	_ =	sfence  }
0x2f: {  	s30 =	sld [smem:$0x0];
	_ =	sdelay $0x2  }
0x30: {  	s31 =	sshll.u32 s1, $0xD;
	s1 =	sshrl.u32 s1, $0x2  }
0x31: {  	s3 =	sand.u32 $0x4000, s31;
	s1 =	sadd.s32 s1, s30  }
0x32: {  	s0 =	sor.u32 s3, s0;
	s1 =	sshll.u32 s1, $0x11  }
0x33: {  	s0 =	sor.u32 s1, s0  }
0x34: {  	s0 =	sadd.s32 $0x8F2B, s0  }
0x35: {  	[sflag:s0] =	ssyncadd.remote.s32 $0x1  }
0x36: {  	_ =	sfence.sel $0xFFFF  }
0x37: {  	[dreg:$0x0] =	wrdreg $0xFFFFFFFF;
	(pc) =	sbr.abs _section_cstart, $3  }
0x38: {  	[dreg:$0x1] =	wrdreg $0xFFFFFFFF  }
0x39: {  	_ =	task.clear_ibuf [dreg:s7], $0x2FFFF;
	_ =	strace $0x9FFFFFFF  }
0x3a: {  	(tm) =	ssettm $0x7FFFFFFF  }
0x3b: {  	_ =	shalt  }
tec
execute0_lowered:
.L_overlay_start_1:
0x0: {  	(tag) =	ssettag $0x1  }
0x1: {  	s4 =	rddreg [dreg:$0x0]  }
0x2: {  	s0 =	stileid.u32;
	s2 =	rddreg [dreg:$0x1]  }
0x3: {  	s7 =	srdreg.scid;
	s31 =	simm.s32 $0x2;
	s17 =	simm.s32 $0x0  }
0x4: {  	s9 =	simm.s32 $0x2000;
	s19 =	simm.s32 $0x0;
	s18 =	simm.s32 $0x0  }
0x5: {  	s10 =	simm.s32 $0x0;
	s11 =	simm.s32 $0x0;
	s1 =	sshll.u32 s0, $0x7  }
0x6: {  	s12 =	simm.s32 $0x0;
	s14 =	simm.s32 $0x0;
	s3 =	sand.u32 $0x380, s1  }
0x7: {  	s16 =	simm.s32 $0x0;
	s4 =	sadd.s32 $0x800, s4;
	s5 =	ssub.s32 $0x400, s3  }
0x8: {  	s8 =	sshll.u32 s0, $0x4;
	s7 =	sshll.u32 s7, $0x8;
	s6 =	sand.u32 $0x380, s5  }
0x9: {  	s1 =	rddreg [dreg:$0x2];
	p0 =	sne.s32 s6, $0x0;
	s6 =	simm.s32 $0x1  }
.Ltmp0:
0xa: {  	s5 =	sshrl.u32 s5, $0xA;
	s6 =	simm.s32 @!p0 $0x0;
	(pc) =	sbr.rel .LBB1_1-.Ltmp0, $4  }
0xb: {  	_ =	strace $0x8000004A;
	s7 =	sor.u32 s8, s7;
	s6 =	sadd.s32 s6, s5  }
0xc: {  	s7 =	sand.u32 $0x180, s7;
	s5 =	simm.s32 $0x1;
	s6 =	smul.u32 $0x64, s6  }
0xd: {  	s15 =	smov.u32 s3;
	s13 =	smov.u32 s7;
	[sflag:s5] =	ssyncpa.u1 $0x0  }
0xe: {  	p0 =	por $0x0, $0x0;
	[sflag:s31] =	ssyncpa.u1 $0x0;
	s8 =	sor.u32 $0x1, s6  }
.LBB1_4:
0xf: {  	s25 =	sshll.u32 s10, $0xA;
	s24 =	sshra.s32 s24, $0x2;
	s26 =	sshll.u32 s12, $0x3  }
0x10: {  	p1 =	sgt.s32 s11, $0x31;
	s27 =	smov.u32 s11;
	s28 =	sshra.s32 s11, $0x1F  }
0x11: {  	p2 =	sgt.s32 s12, $0x380;
	s31 =	sshra.s32 s12, $0x1F;
	s25 =	sand.u32 $0xFFFFE000, s25  }
0x12: {  	s26 =	sand.u32 $0xFFFFFC00, s26;
	s27 =	simm.s32 @!p1 $0x31;
	s28 =	sand.u32 s28, s11  }
0x13: {  	[tilespmem:s22+$0x2040 ss:$0x81] =	vst.msk $0xffff, v4;
	s23 =	sadd.s32 s24, s23;
	s29 =	sadd.s32 s26, s25;
	s25 =	ssub.s32 s27, s28  }
0x14: {  	[tilespmem:s22+$0x2850 ss:$0x81] =	vst.msk $0xffff, v3;
	s27 =	smov.u32 s12;
	s28 =	smov.u32 s10;
	s26 =	sand.u32 s31, s12  }
0x15: {  	[tilespmem:s22+$0x3060 ss:$0x81] =	vst.msk $0xffff, v2;
	s24 =	sshrl.u32 s29, $0xA;
	s30 =	sadd.s32 $0xFFFFFFCF, s25;
	s27 =	simm.s32 @!p2 $0x380  }
0x16: {  	v5 =	vld [tilespmem:s21+$0xFFFFFFD0];
	[tilespmem:s22+$0x0 ss:$0x81] =	vst.msk $0xffff, v1;
	p2 =	sgt.s32 s10, $0x368;
	s29 =	sshra.s32 s10, $0x1F;
	s22 =	ssub.s32 $0x32, s25  }
0x17: {  	v58 =	vld [tilespmem:s21+$0xFFFFFFE0];
	p1 =	sgt.s32 s30, $0x0;
	s28 =	simm.s32 @!p2 $0x368;
	s29 =	sand.u32 s29, s10  }
0x18: {  	v59 =	vld [tilespmem:s21+$0xFFFFFFF0];
	s26 =	ssub.s32 s27, s26;
	s27 =	smulhi.u32 $0x418938, s24;
	s28 =	ssub.s32 s28, s29  }
0x19: {  	v60 =	vld [tilespmem:s21+$0x0];
	s30 =	sadd.s32 $0xFFFFFC80, s26;
	s25 =	ssub.s32 $0x400, s26;
	s22 =	simm.s32 @p1 $0x0  }
0x1a: {  	v61 =	vld [tilespmem:s21+$0x10];
	[tilespmem:s23+$0x3870 ss:$0x81] =	vst.msk $0xffff, v0;
	s29 =	sand.u32 $0x78, s12;
	p2 =	sgt.s32 s30, $0x7F;
	s31 =	sadd.s32 $0xFFFFFC98, s28  }
0x1b: {  	v62 =	vld [tilespmem:s21+$0x20];
	[tilespmem:s23+$0x810 ss:$0x81] =	vst.msk $0xffff, v5;
	s27 =	smul.u32 $0x3E8, s27;
	s30 =	sshll.u32 s10, $0x7;
	s28 =	ssub.s32 $0x3E8, s28  }
0x1c: {  	v63 =	vld [tilespmem:s21+$0xFFFFFFC0];
	[tilespmem:s23+$0x1020 ss:$0x81] =	vst.msk $0xffff, v58;
	s25 =	simm.s32 @p2 $0x0;
	p1 =	sgt.s32 s31, $0x7F;
	s31 =	smul.u32 $0x1F400, s11  }
0x1d: {  	[tilespmem:s23+$0x1830 ss:$0x81] =	vst.msk $0xffff, v59;
	s21 =	sand.u32 $0x380, s30;
	s22 =	smul.u32 s25, s22;
	s28 =	simm.s32 @p1 $0x0  }
0x1e: {  	[tilespmem:s23+$0x2040 ss:$0x81] =	vst.msk $0xffff, v60;
	s21 =	sor.u32 s29, s21;
	s24 =	ssub.s32 s24, s27;
	s29 =	sand.u32 $0x7, s12  }
0x1f: {  	[tilespmem:s23+$0x2850 ss:$0x81] =	vst.msk $0xffff, v61;
	s21 =	sshrl.u32 s21, $0x3;
	s25 =	sadd.s32 s2, s31;
	s22 =	smul.u32 s28, s22  }
0x20: {  	[tilespmem:s23+$0x3060 ss:$0x81] =	vst.msk $0xffff, v62;
	s24 =	sshll.u32 s24, $0x7;
	s30 =	sshll.u32 s29, $0x12;
	s21 =	sadd.s32 s21, s25  }
0x21: {  	[tilespmem:s23+$0x0 ss:$0x81] =	vst.msk $0xffff, v63;
	s31 =	sor.u32 $0x400, s30;
	s21 =	sadd.s32 s24, s21;
	s22 =	sand.u32 $0x3FFFFFFF, s22  }
0x22: {  	[hbm4b:s21+s31] =	stream.strided.scatter [tilespmem:s20], [sflag:$0x2], s22, s9, s31, $0x20;
	[tilespmem:$0x10100] =	vst v63  }
.LBB1_5:
0x23: {  	p1 =	slt.u32 s16, $0x2  }
0x24: {  	p2 =	sgt.s32 @!p1 s19, $0x31  }
0x25: {  	s20 =	smov.u32 s19;
	s21 =	sshra.s32 @!p1 s19, $0x1F;
	p2 =	por !p2, p1  }
0x26: {  	s19 =	sand.u32 @!p1 s21, s19;
	s20 =	simm.s32 @p2 $0x31  }
0x27: {  	p3 =	sgt.s32 @!p1 s17, $0x368;
	s19 =	ssub.s32 @!p1 s20, s19  }
0x28: {  	p4 =	sgt.s32 @!p1 s18, $0x380;
	s22 =	sshra.s32 @!p1 s18, $0x1F;
	s20 =	sadd.s32 @!p1 $0xFFFFFFCF, s19  }
0x29: {  	s21 =	smov.u32 s17;
	p2 =	sgt.s32 @!p1 s20, $0x0;
	s20 =	sshra.s32 @!p1 s17, $0x1F  }
0x2a: {  	p4 =	por !p4, p1;
	s17 =	sand.u32 @!p1 s20, s17;
	s20 =	smov.u32 s18  }
0x2b: {  	p3 =	por !p3, p1;
	s18 =	sand.u32 @!p1 s22, s18;
	s20 =	simm.s32 @p4 $0x380  }
0x2c: {  	s21 =	simm.s32 @p3 $0x368;
	s19 =	ssub.s32 @!p1 $0x32, s19;
	s18 =	ssub.s32 @!p1 s20, s18  }
0x2d: {  	p2 =	por !p2, p1;
	s17 =	ssub.s32 @!p1 s21, s17;
	s21 =	sadd.s32 @!p1 $0xFFFFFC80, s18  }
0x2e: {  	s19 =	simm.s32 @!p2 $0x0;
	p3 =	sgt.s32 @!p1 s21, $0x7F  }
0x2f: {  	s20 =	sadd.s32 @!p1 $0xFFFFFC98, s17;
	s18 =	ssub.s32 @!p1 $0x400, s18;
	p3 =	por !p3, p1  }
0x30: {  	p2 =	sgt.s32 @!p1 s20, $0x7F;
	s20 =	sadd.s32 $0x200, s13;
	s18 =	simm.s32 @!p3 $0x0  }
0x31: {  	p3 =	sgt.s32 s20, $0x3E7;
	s18 =	smul.u32 @!p1 s18, s19;
	s19 =	simm.s32 $0x1  }
0x32: {  	s17 =	ssub.s32 @!p1 $0x3E8, s17;
	p2 =	por !p2, p1;
	s19 =	simm.s32 @!p3 $0x0  }
0x33: {  	s22 =	smov.u32 s15;
	s17 =	simm.s32 @!p2 $0x0;
	s21 =	sadd.s32 s19, s14  }
0x34: {  	s17 =	smul.u32 @!p1 s17, s18;
	s18 =	sadd.s32 $0x400, s15;
	p2 =	sgt.s32 s21, $0x31  }
0x35: {  	p0 =	por !p0, !p0;
	s23 =	simm.s32 @!p1 $0x2;
	s22 =	smov.u32 @p2 s18  }
0x36: {  	s20 =	smov.u32 @p3 s7;
	s21 =	simm.s32 @p2 $0x0;
	p2 =	sgt.s32 s22, $0x3FF  }
0x37: {  	s19 =	smov.u32 s11;
	s22 =	smov.u32 @p2 s3;
	p2 =	sne.s32 s16, s8  }
.Ltmp1:
0x38: {  	s11 =	smov.u32 s14;
	s17 =	sand.u32 @!p1 $0x3FFFFFFF, s17;
	(pc) =	sbr.rel @!p2 .LBB1_6-.Ltmp1, $4  }
0x39: {  	s18 =	smov.u32 s12;
	s12 =	smov.u32 s15;
	_ =	swait.ge @!p1 [sflag:s23], s17  }
0x3a: {  	s24 =	ssub.s32 @!p1 $0x0, s17;
	s17 =	smov.u32 s10;
	s10 =	smov.u32 s13  }
0x3b: {  	s13 =	smov.u32 s20;
	s14 =	smov.u32 s21;
	[sflag:s23] =	ssyncset.done @!p1 $0x0  }
0x3c: {  	s16 =	sadd.s32 $0x1, s16;
	[sflag:s23] =	ssyncadd.s32 @!p1 s24;
	s15 =	smov.u32 s22  }
.LBB1_1:
0x3d: {  	p1 =	sge.u32 s16, s6  }
0x3e: {  	s20 =	sshll.u32 @!p1 s14, $0xA  }
0x3f: {  	s21 =	sshll.u32 @!p1 s13, $0x3;
	s20 =	sand.u32 @!p1 $0xFFFFE000, s20  }
0x40: {  	s20 =	sadd.s32 @!p1 s20, s21  }
0x41: {  	s20 =	sshrl.u32 @!p1 s20, $0xA  }
0x42: {  	s21 =	smulhi.u32 @!p1 $0x4924925, s20  }
0x43: {  	s22 =	sshll.u32 @!p1 s14, $0x7;
	s24 =	smul.u32 @!p1 $0x1C00, s15  }
0x44: {  	s23 =	sand.u32 @!p1 $0x78, s13;
	s22 =	sand.u32 @!p1 $0x380, s22;
	s21 =	smul.u32 @!p1 $0x38, s21  }
0x45: {  	s31 =	sadd.s32 $0xFFFFFFFF, s16;
	s22 =	sor.u32 @!p1 s23, s22;
	s23 =	sadd.s32 @!p1 s4, s24  }
0x46: {  	s22 =	sshrl.u32 @!p1 s22, $0x3;
	s20 =	ssub.s32 @!p1 s20, s21;
	s21 =	sxor.u32 @!p1 $0xFFFFFFFF, s16  }
0x47: {  	s22 =	sadd.s32 @!p1 s22, s23;
	s23 =	sand.u32 @!p1 $0x7, s13;
	s21 =	sshll.u32 @!p1 s21, $0xE  }
0x48: {  	s23 =	sshll.u32 @!p1 s23, $0x12;
	s20 =	sshll.u32 @!p1 s20, $0x7;
	s21 =	sand.u32 @!p1 $0x4000, s21  }
0x49: {  	s20 =	sadd.s32 @!p1 s20, s22;
	s22 =	sor.u32 @!p1 $0x80, s23;
	s23 =	simm.s32 @!p1 $0xE000  }
0x4a: {  	[tilespmem:s21], [sflag:$0x1] =	stream.strided.gather @!p1 [hbm4b:s20+s22], $0x4000, s23, s22, $0x38;
	[tilespmem:$0x10100] =	vst v63  }
0x4b: {  	p1 =	sge.u32 s31, s6  }
.Ltmp2:
0x4c: {  	_ = 	snop;
	(pc) =	sbr.rel @p1 .LBB1_5-.Ltmp2, $1  }
0x4d: {  	_ =	sdelay $0x3  }
0x4e: {  	s20 =	simm.s32 $0x1  }
0x4f: {  	_ =	swait.ge [sflag:s5], $0x4000;
	s20 =	simm.s32 @!p0 $0x0  }
0x50: {  	[sflag:s5] =	ssyncset.done $0x0;
	s21 =	sshll.u32 s20, $0xE  }
0x51: {  	[sflag:s5] =	ssyncadd.s32 $0xFFFFC000;
	s21 =	sor.u32 $0x40, s21  }
0x52: {  	s20 =	smul.u32 $0x10200, s20;
	v0 =	vld [tilespmem:s21+$0x30]  }
0x53: {  	v1 =	vld [tilespmem:s21+$0xFFFFFFD0]  }
0x54: {  	s20 =	sshrl.u32 s20, $0x2;
	v5 =	vld [tilespmem:s21+$0xFFFFFFE0]  }
0x55: {  	v6 =	vld [tilespmem:s21+$0xFFFFFFF0];
	s23 =	sor.u32 $0x8000, s20  }
0x56: {  	s31 =	sand.u32 $0x1, s16;
	v4 =	vld [tilespmem:s21+$0x0];
	s22 =	sadd.s32 $0x0, s23  }
0x57: {  	v3 =	vld [tilespmem:s21+$0x10];
	s20 =	smul.u32 $0x10200, s31;
	[tilespmem:s22+$0x3870 ss:$0x81] =	vst.msk $0xffff, v0  }
0x58: {  	v2 =	vld [tilespmem:s21+$0x20];
	[tilespmem:s22+$0x810 ss:$0x81] =	vst.msk $0xffff, v1  }
0x59: {  	s20 =	sshrl.u32 s20, $0x2;
	v1 =	vld [tilespmem:s21+$0xFFFFFFC0];
	[tilespmem:s22+$0x1020 ss:$0x81] =	vst.msk $0xffff, v5;
	s21 =	sadd.s32 $0x80, s21  }
0x5a: {  	s24 =	simm.s32 $0x4;
	s25 =	simm.s32 $0x8;
	s20 =	sor.u32 $0x8000, s20;
	[tilespmem:s22+$0x1830 ss:$0x81] =	vst.msk $0xffff, v6;
	v0 =	vld [tilespmem:s21+$0x30]  }
.LBB1_3:
0x5b: {  	p1 =	sne.s32 s25, $0x1FC;
	v5 =	vld [tilespmem:s21+$0xFFFFFFD0];
	[tilespmem:s22+$0x2040 ss:$0x81] =	vst.msk $0xffff, v4  }
0x5c: {  	v6 =	vld [tilespmem:s21+$0xFFFFFFE0];
	[tilespmem:s22+$0x2850 ss:$0x81] =	vst.msk $0xffff, v3  }
0x5d: {  	s26 =	sshra.s32 s24, $0x2;
	s24 =	smov.u32 s25;
	v7 =	vld [tilespmem:s21+$0xFFFFFFF0];
	[tilespmem:s22+$0x3060 ss:$0x81] =	vst.msk $0xffff, v2  }
.Ltmp3:
0x5e: {  	v4 =	vld [tilespmem:s21+$0x0];
	[tilespmem:s22+$0x0 ss:$0x81] =	vst.msk $0xffff, v1;
	s22 =	sadd.s32 s26, s23;
	(pc) =	sbr.rel @p1 .LBB1_3-.Ltmp3, $4  }
0x5f: {  	v3 =	vld [tilespmem:s21+$0x10];
	[tilespmem:s22+$0x3870 ss:$0x81] =	vst.msk $0xffff, v0  }
0x60: {  	[tilespmem:s22+$0x810 ss:$0x81] =	vst.msk $0xffff, v5;
	v2 =	vld [tilespmem:s21+$0x20]  }
0x61: {  	v1 =	vld [tilespmem:s21+$0xFFFFFFC0];
	[tilespmem:s22+$0x1020 ss:$0x81] =	vst.msk $0xffff, v6;
	s21 =	sadd.s32 $0x80, s21  }
0x62: {  	s25 =	sadd.s32 $0x4, s25;
	v0 =	vld [tilespmem:s21+$0x30];
	[tilespmem:s22+$0x1830 ss:$0x81] =	vst.msk $0xffff, v7  }
.Ltmp4:
0x63: {  	_ = 	snop;
	(pc) =	sbr.rel .LBB1_4-.Ltmp4, $1  }
0x64: {  	_ =	sdelay $0x3  }
.LBB1_6:
0x65: {  	_ =	sfence.sel $0x180000  }
0x66: {  	s2 =	simm.s32 $0x1;
	[bflag:$0x0] =	sbarrier.arrive $0xFFFF  }
0x67: {  	s31 =	simm.s32 $0x2;
	[sflag:s2] =	ssyncpa.u1 $0x1  }
0x68: {  	[sflag:s31] =	ssyncpa.u1 $0x1  }
0x69: {  	p0 =	sne.s32 s0, $0x0;
	_ =	strace $0x9000004A  }
0x6a: {  	s0 =	sadd.s32 @!p0 $0x100000, s1;
	[bflag:$0x2] =	sbarrier.arrive $0xFFFF  }
0x6b: {  	[sflag:s0] =	ssyncadd.tile.s32 @!p0 $0x1;
	_ =	shalt  }
.Lfunc_end1:
_tile_overlayer_lowered:
.L_overlay_start_2:
0x6c: {  	(tag) =	ssettag $0x2  }
0x6d: {  	s0 =	rddreg [dreg:$0x0];
	s2 =	stileid.u32  }
0x6e: {  	s1 =	rddreg [dreg:$0x1];
	p0 =	sne.s32 s2, $0x0  }
0x6f: {  	s3 =	rddreg [dreg:$0x2];
	[bflag:$0x3] =	sbarrier.arrive $0xFFFF;
	s2 =	simm.s32 @!p0 $0x1C01  }
0x70: {  	[timem:s3], [sflag:s2] =	dma.local @!p0 [hbm:s0], s1  }
0x71: {  	s0 =	simm.s32 @!p0 $0x1  }
0x72: {  	_ =	swait.ge @!p0 [sflag:s0], s1  }
0x73: {  	s1 =	ssub.s32 @!p0 $0x0, s1;
	[sflag:s0] =	ssyncset.done @!p0 $0x0  }
0x74: {  	[sflag:s0] =	ssyncadd.s32 @!p0 s1  }
0x75: {  	[bflag:$0x3] =	sbarrier.arrive $0xFFFF  }
0x76: {  	_ =	shalt  }

</sc_bundles>
